<compile_context>
chip_gen: v7x
topology: tpu7x:2x2x1
jax: 0.10.2.dev20260603
libtpu: 0.0.44.dev20260713+nightly
codegen_flags: <defaults>
</compile_context>

<pallas_src>
import functools

import jax
import jax.numpy as jnp
from jax import lax
from jax.experimental import pallas as pl
from jax.experimental.pallas import tpu as pltpu
from jax.experimental.pallas import tpu_sc as plsc

_NC = 2
_NS = 16
_NW = _NC * _NS
_CHUNK = 128


def _round_up(a, b):
    return (a + b - 1) // b * b


@functools.partial(jax.jit, static_argnums=(3, 4))
def _sc_segment_sum(x, src, dst, n_pad, rpt):
    _, D = x.shape
    ept = src.shape[0] // _NW
    cpt = ept // _CHUNK
    zrows_n = rpt // 8
    zvec_n = _round_up(rpt, 16)

    mesh = plsc.VectorSubcoreMesh(core_axis_name="c", subcore_axis_name="s")

    @functools.partial(
        pl.kernel,
        mesh=mesh,
        out_type=(
            jax.ShapeDtypeStruct((_NC * n_pad, D), jnp.float32),
            jax.ShapeDtypeStruct((_NC * n_pad,), jnp.float32),
        ),
        scratch_types=[
            pltpu.VMEM((_CHUNK,), jnp.int32),
            pltpu.VMEM((_CHUNK,), jnp.int32),
            pltpu.VMEM((_CHUNK, D), jnp.float32),
            pltpu.VMEM((_CHUNK,), jnp.float32),
            pltpu.VMEM((zrows_n, D), jnp.float32),
            pltpu.VMEM((zvec_n,), jnp.float32),
            pltpu.VMEM_SHARED((n_pad, D), jnp.float32),
            pltpu.VMEM_SHARED((n_pad,), jnp.float32),
            pltpu.SemaphoreType.DMA,
        ],
    )
    def seg_sum(x_hbm, src_hbm, dst_hbm, s_out, cnt_out,
                sidx, didx, rows, ones_v, zrows, zvec, s_acc, c_acc, sem):
        cid = lax.axis_index("c")
        sid = lax.axis_index("s")
        wid = sid * _NC + cid

        zero16 = jnp.zeros((16,), jnp.float32)
        one16 = jnp.ones((16,), jnp.float32)
        for j in range(_CHUNK // 16):
            ones_v[pl.ds(j * 16, 16)] = one16

        def zv_body(i, _):
            zvec[pl.ds(i * 16, 16)] = zero16
            return 0
        lax.fori_loop(0, zvec_n // 16, zv_body, 0)

        def zr_body(i, _):
            for j in range(D // 16):
                zrows[i, pl.ds(j * 16, 16)] = zero16
            return 0
        lax.fori_loop(0, zrows_n, zr_body, 0)

        row0 = sid * rpt
        for k in range(rpt // zrows_n):
            pltpu.sync_copy(zrows, s_acc.at[pl.ds(row0 + k * zrows_n, zrows_n), :])
        pltpu.sync_copy(zvec.at[pl.ds(0, rpt)], c_acc.at[pl.ds(row0, rpt)])
        plsc.subcore_barrier()

        ebase = wid * ept

        def chunk_body(ci, _):
            off = ebase + ci * _CHUNK
            pltpu.sync_copy(src_hbm.at[pl.ds(off, _CHUNK)], sidx)
            pltpu.sync_copy(dst_hbm.at[pl.ds(off, _CHUNK)], didx)
            pltpu.async_copy(x_hbm.at[sidx], rows, sem).wait()
            pltpu.sync_copy(rows, s_acc.at[didx], add=True)
            pltpu.sync_copy(ones_v, c_acc.at[didx], add=True)
            return 0
        lax.fori_loop(0, cpt, chunk_body, 0)
        plsc.subcore_barrier()

        obase = cid * n_pad + row0
        pltpu.sync_copy(s_acc.at[pl.ds(row0, rpt), :],
                        s_out.at[pl.ds(obase, rpt), :])
        pltpu.sync_copy(c_acc.at[pl.ds(row0, rpt)], zvec.at[pl.ds(0, rpt)])
        pltpu.sync_copy(zvec.at[pl.ds(0, rpt)], cnt_out.at[pl.ds(obase, rpt)])

    return seg_sum(x, src, dst)


def _tc_dense(x, s2, cnt2, w_nbr, w_self, b_env, w_cls_p, b_cls_p, C):
    N, D = x.shape
    R = 2000
    grid = (N // R,)

    def body(x_ref, s_ref, c_ref, wn_ref, ws_ref, be_ref, wc_ref, bc_ref, o_ref):
        s = s_ref[0] + s_ref[1]
        cnt = c_ref[0] + c_ref[1]
        agg = s / jnp.maximum(cnt, 1.0)
        agg = jnp.dot(agg, wn_ref[...], preferred_element_type=jnp.float32)
        h = jnp.dot(x_ref[...], ws_ref[...], preferred_element_type=jnp.float32)
        x1 = jax.nn.gelu(h + agg + be_ref[...])
        logits = jnp.dot(x1, wc_ref[...], preferred_element_type=jnp.float32)
        g = jax.nn.gelu(logits + bc_ref[...])
        col = lax.broadcasted_iota(jnp.int32, g.shape, 1)
        gm = jnp.where(col < C, g, -1e30)
        m = jnp.max(gm, axis=1, keepdims=True)
        e = jnp.exp(gm - m)
        o_ref[...] = e / jnp.sum(e, axis=1, keepdims=True)

    Dp = w_cls_p.shape[1]
    return pl.pallas_call(
        body,
        grid=grid,
        in_specs=[
            pl.BlockSpec((R, D), lambda i: (i, 0)),
            pl.BlockSpec((2, R, D), lambda i: (0, i, 0)),
            pl.BlockSpec((2, R, 1), lambda i: (0, i, 0)),
            pl.BlockSpec((D, D), lambda i: (0, 0)),
            pl.BlockSpec((D, D), lambda i: (0, 0)),
            pl.BlockSpec((1, D), lambda i: (0, 0)),
            pl.BlockSpec((D, Dp), lambda i: (0, 0)),
            pl.BlockSpec((1, Dp), lambda i: (0, 0)),
        ],
        out_specs=pl.BlockSpec((R, Dp), lambda i: (i, 0)),
        out_shape=jax.ShapeDtypeStruct((N, Dp), jnp.float32),
    )(x, s2, cnt2, w_nbr, w_self, b_env, w_cls_p, b_cls_p)


def kernel(x, edge_index, W_env_self, W_env_nbr, b_env,
           W_act_self, W_act_nbr, b_act, W_cls, b_cls):
    N, D = x.shape
    C = W_cls.shape[1]
    E = edge_index.shape[1]

    cpt = _round_up(-(-E // _NW) , 2 * _CHUNK) // _CHUNK
    e_pad = _NW * cpt * _CHUNK
    rpt = _round_up(-(-(N + 1) // _NS), 8)
    n_pad = rpt * _NS

    pad = e_pad - E
    src = jnp.concatenate([edge_index[0], jnp.zeros((pad,), jnp.int32)])
    dst = jnp.concatenate([edge_index[1], jnp.full((pad,), N, jnp.int32)])

    s_flat, cnt_flat = _sc_segment_sum(x, src, dst, n_pad, rpt)
    s2 = s_flat.reshape(_NC, n_pad, D)
    cnt2 = cnt_flat.reshape(_NC, n_pad, 1)

    Dp = _round_up(C, 128)
    w_cls_p = jnp.pad(W_cls, ((0, 0), (0, Dp - C)))
    b_cls_p = jnp.pad(b_cls, (0, Dp - C)).reshape(1, Dp)

    out = _tc_dense(x, s2, cnt2, W_env_nbr, W_env_self,
                    b_env.reshape(1, D), w_cls_p, b_cls_p, C)
    return out[:, :C]

# --- scband reference (transcript-rebuilt; emitter-appended) ---
"""Pipeline reference for scband-hco-gnn-node-classifier-30434138259863 (READ-ONLY COPY).

The authoritative reference and input builder live on the scoring server;
editing this copy changes nothing except your own understanding.
"""

import jax, jax.numpy as jnp
import numpy as np

N = 10000
E = 320000
D = 128
C = 40
NUM_ITERATIONS = 1


def _segment_mean(msgs, dst, num_nodes):
    s = jax.ops.segment_sum(msgs, dst, num_segments=num_nodes)
    cnt = jax.ops.segment_sum(jnp.ones((msgs.shape[0], 1), msgs.dtype), dst, num_segments=num_nodes)
    return s / jnp.clip(cnt, 1.0, None)


def _gumbel_softmax_hard(logits, key, tau=1.0):
    u = jax.random.uniform(key, logits.shape, dtype=logits.dtype)
    g = -jnp.log(-jnp.log(u + 1e-20) + 1e-20)
    y = jax.nn.softmax((logits + g) / tau, axis=-1)
    idx = jnp.argmax(y, axis=-1)
    y_hard = jax.nn.one_hot(idx, logits.shape[-1], dtype=y.dtype)
    # straight-through estimator
    return y_hard + y - jax.lax.stop_gradient(y)


def setup_inputs(seed: int = 0) -> dict:
    key = jax.random.key(seed)
    ks = jax.random.split(key, 12)
    x = jax.random.normal(ks[0], (N, D), dtype=jnp.float32)
    edge_index = jax.random.randint(ks[1], (2, E), 0, N, dtype=jnp.int32)
    s = 1.0 / np.sqrt(D)
    W_env_self = jax.random.normal(ks[2], (D, D), dtype=jnp.float32) * s
    W_env_nbr = jax.random.normal(ks[3], (D, D), dtype=jnp.float32) * s
    b_env = jnp.zeros((D,), dtype=jnp.float32)
    W_act_self = jax.random.normal(ks[4], (D, 4), dtype=jnp.float32) * s
    W_act_nbr = jax.random.normal(ks[5], (D, 4), dtype=jnp.float32) * s
    b_act = jnp.zeros((4,), dtype=jnp.float32)
    W_cls = jax.random.normal(ks[6], (D, C), dtype=jnp.float32) * s
    b_cls = jnp.zeros((C,), dtype=jnp.float32)
    return {
        "x": x,
        "edge_index": edge_index,
        "W_env_self": W_env_self,
        "W_env_nbr": W_env_nbr,
        "b_env": b_env,
        "W_act_self": W_act_self,
        "W_act_nbr": W_act_nbr,
        "b_act": b_act,
        "W_cls": W_cls,
        "b_cls": b_cls,
    }


def reference(x, edge_index, W_env_self, W_env_nbr, b_env, W_act_self, W_act_nbr, b_act, W_cls, b_cls):
    src = edge_index[0]
    dst = edge_index[1]
    n = x.shape[0]
    # initial action: all nodes take action 0 (listen + broadcast)
    action = jnp.zeros((n, 4), dtype=x.dtype).at[:, 0].set(1.0)
    gkey = jax.random.key(42)
    for i in range(NUM_ITERATIONS):
        # environment network: action-gated mean message passing
        listen = (action[:, 0] + action[:, 1])[:, None]
        broadcast = (action[:, 0] + action[:, 2])[:, None]
        msgs = jnp.take(broadcast * x, src, axis=0) @ W_env_nbr
        agg = _segment_mean(msgs, dst, n)
        x = jax.nn.gelu(x @ W_env_self + listen * agg + b_env)
        # action network: mean-aggregated GNN producing 4 action logits
        msgs_a = jnp.take(x, src, axis=0) @ W_act_nbr
        agg_a = _segment_mean(msgs_a, dst, n)
        p_i = x @ W_act_self + agg_a + b_act
        action = _gumbel_softmax_hard(p_i, jax.random.fold_in(gkey, i))
    out = x @ W_cls + b_cls
    # dropout is identity in eval; module applies GELU then softmax
    out = jax.nn.gelu(out)
    return jax.nn.softmax(out, axis=1)

if __name__ == "__main__":
    import jax
    _d = setup_inputs()
    print(jax.jit(kernel)(*tuple(_d.values())))

</pallas_src>

<mosaic_0001>
#map = affine_map<(d0, d1) -> (0, 0)>
#map1 = affine_map<(d0, d1) -> (0)>
module attributes {stable_mosaic.version = 14 : i64} {
  func.func @seg_sum(%arg0: i32, %arg1: i32, %arg2: memref<10000x128xf32, #tpu.memory_space<hbm>>, %arg3: memref<327680xi32, #tpu.memory_space<hbm>>, %arg4: memref<327680xi32, #tpu.memory_space<hbm>>, %arg5: memref<20224x128xf32, #tpu.memory_space<hbm>>, %arg6: memref<20224xf32, #tpu.memory_space<hbm>>, %arg7: memref<128xi32, #tpu.memory_space<vmem>>, %arg8: memref<128xi32, #tpu.memory_space<vmem>>, %arg9: memref<128x128xf32, #tpu.memory_space<vmem>>, %arg10: memref<128xf32, #tpu.memory_space<vmem>>, %arg11: memref<79x128xf32, #tpu.memory_space<vmem>>, %arg12: memref<640xf32, #tpu.memory_space<vmem>>, %arg13: memref<10112x128xf32, #tpu.memory_space<vmem_shared>>, %arg14: memref<10112xf32, #tpu.memory_space<vmem_shared>>, %arg15: memref<!tpu.dma_semaphore, #tpu.memory_space<semaphore_mem>>) attributes {dimension_semantics = [#tpu.dimension_semantics<core_parallel>, #tpu.dimension_semantics<subcore_parallel>], iteration_bounds = array<i64: 2, 16>, scalar_prefetch = 0 : i64, scratch_operands = 9 : i64, tpu.core_type = #tpu.core_type<sc_vector_subcore>, window_params = [{transform_indices = #map}, {transform_indices = #map1}, {transform_indices = #map1}, {transform_indices = #map}, {transform_indices = #map1}]} {
    %mul3A = arith.constant 2 : i32
    %mul3A_0 = arith.muli %arg1, %mul3A : i32
    %add3A = arith.addi %mul3A_0, %arg0 : i32
    %broadcast_in_dim3A = arith.constant 0.000000e+00 : f32
    %broadcast_in_dim3A_1 = vector.broadcast %broadcast_in_dim3A : f32 to vector<16xf32>
    %broadcast_in_dim3A_2 = arith.constant 1.000000e+00 : f32
    %broadcast_in_dim3A_3 = vector.broadcast %broadcast_in_dim3A_2 : f32 to vector<16xf32>
    %swap3A = arith.constant 0 : index
    %swap3A_4 = tpu.vector_load %arg10[%swap3A] {strides = array<i32>} : memref<128xf32, #tpu.memory_space<vmem>>, vector<16xf32>,
    %swap3A_5 = vector.shape_cast %swap3A_4 : vector<16xf32> to vector<16xf32>
    %swap3A_6 = vector.shape_cast %broadcast_in_dim3A_3 : vector<16xf32> to vector<16xf32>
    tpu.vector_store %arg10[%swap3A], %swap3A_6 {strides = array<i32>} : memref<128xf32, #tpu.memory_space<vmem>>, vector<16xf32>,
    %swap3A_7 = arith.constant 16 : index
    %swap3A_8 = tpu.vector_load %arg10[%swap3A_7] {strides = array<i32>} : memref<128xf32, #tpu.memory_space<vmem>>, vector<16xf32>,
    %swap3A_9 = vector.shape_cast %swap3A_8 : vector<16xf32> to vector<16xf32>
    %swap3A_10 = vector.shape_cast %broadcast_in_dim3A_3 : vector<16xf32> to vector<16xf32>
    tpu.vector_store %arg10[%swap3A_7], %swap3A_10 {strides = array<i32>} : memref<128xf32, #tpu.memory_space<vmem>>, vector<16xf32>,
    %swap3A_11 = arith.constant 32 : index
    %swap3A_12 = tpu.vector_load %arg10[%swap3A_11] {strides = array<i32>} : memref<128xf32, #tpu.memory_space<vmem>>, vector<16xf32>,
    %swap3A_13 = vector.shape_cast %swap3A_12 : vector<16xf32> to vector<16xf32>
    %swap3A_14 = vector.shape_cast %broadcast_in_dim3A_3 : vector<16xf32> to vector<16xf32>
    tpu.vector_store %arg10[%swap3A_11], %swap3A_14 {strides = array<i32>} : memref<128xf32, #tpu.memory_space<vmem>>, vector<16xf32>,
    %swap3A_15 = arith.constant 48 : index
    %swap3A_16 = tpu.vector_load %arg10[%swap3A_15] {strides = array<i32>} : memref<128xf32, #tpu.memory_space<vmem>>, vector<16xf32>,
    %swap3A_17 = vector.shape_cast %swap3A_16 : vector<16xf32> to vector<16xf32>
    %swap3A_18 = vector.shape_cast %broadcast_in_dim3A_3 : vector<16xf32> to vector<16xf32>
    tpu.vector_store %arg10[%swap3A_15], %swap3A_18 {strides = array<i32>} : memref<128xf32, #tpu.memory_space<vmem>>, vector<16xf32>,
    %swap3A_19 = arith.constant 64 : index
    %swap3A_20 = tpu.vector_load %arg10[%swap3A_19] {strides = array<i32>} : memref<128xf32, #tpu.memory_space<vmem>>, vector<16xf32>,
    %swap3A_21 = vector.shape_cast %swap3A_20 : vector<16xf32> to vector<16xf32>
    %swap3A_22 = vector.shape_cast %broadcast_in_dim3A_3 : vector<16xf32> to vector<16xf32>
    tpu.vector_store %arg10[%swap3A_19], %swap3A_22 {strides = array<i32>} : memref<128xf32, #tpu.memory_space<vmem>>, vector<16xf32>,
    %swap3A_23 = arith.constant 80 : index
    %swap3A_24 = tpu.vector_load %arg10[%swap3A_23] {strides = array<i32>} : memref<128xf32, #tpu.memory_space<vmem>>, vector<16xf32>,
    %swap3A_25 = vector.shape_cast %swap3A_24 : vector<16xf32> to vector<16xf32>
    %swap3A_26 = vector.shape_cast %broadcast_in_dim3A_3 : vector<16xf32> to vector<16xf32>
    tpu.vector_store %arg10[%swap3A_23], %swap3A_26 {strides = array<i32>} : memref<128xf32, #tpu.memory_space<vmem>>, vector<16xf32>,
    %swap3A_27 = arith.constant 96 : index
    %swap3A_28 = tpu.vector_load %arg10[%swap3A_27] {strides = array<i32>} : memref<128xf32, #tpu.memory_space<vmem>>, vector<16xf32>,
    %swap3A_29 = vector.shape_cast %swap3A_28 : vector<16xf32> to vector<16xf32>
    %swap3A_30 = vector.shape_cast %broadcast_in_dim3A_3 : vector<16xf32> to vector<16xf32>
    tpu.vector_store %arg10[%swap3A_27], %swap3A_30 {strides = array<i32>} : memref<128xf32, #tpu.memory_space<vmem>>, vector<16xf32>,
    %swap3A_31 = arith.constant 112 : index
    %swap3A_32 = tpu.vector_load %arg10[%swap3A_31] {strides = array<i32>} : memref<128xf32, #tpu.memory_space<vmem>>, vector<16xf32>,
    %swap3A_33 = vector.shape_cast %swap3A_32 : vector<16xf32> to vector<16xf32>
    %swap3A_34 = vector.shape_cast %broadcast_in_dim3A_3 : vector<16xf32> to vector<16xf32>
    tpu.vector_store %arg10[%swap3A_31], %swap3A_34 {strides = array<i32>} : memref<128xf32, #tpu.memory_space<vmem>>, vector<16xf32>,
    %scan3A = arith.constant 0 : i32
    %scan3A_35 = arith.constant 0 : i32
    %scan3A_36 = arith.constant 40 : i32
    %scan3A_37 = arith.addi %scan3A_35, %scan3A_36 : i32
    %scan3A_38 = arith.constant 1 : i32
    %scan3A_39 = scf.for %scan3A_79 = %scan3A_35 to %scan3A_37 step %scan3A_38 iter_args(%scan3A_80 = %scan3A) -> (i32)  : i32 {
      %mul3A_81 = arith.constant 16 : i32
      %mul3A_82 = arith.muli %scan3A_79, %mul3A_81 : i32
      %swap3A_83 = arith.index_cast %mul3A_82 : i32 to index
      %swap3A_84 = tpu.vector_load %arg12[%swap3A_83] {strides = array<i32>} : memref<640xf32, #tpu.memory_space<vmem>>, vector<16xf32>,
      %swap3A_85 = vector.shape_cast %swap3A_84 : vector<16xf32> to vector<16xf32>
      %swap3A_86 = vector.shape_cast %broadcast_in_dim3A_1 : vector<16xf32> to vector<16xf32>
      tpu.vector_store %arg12[%swap3A_83], %swap3A_86 {strides = array<i32>} : memref<640xf32, #tpu.memory_space<vmem>>, vector<16xf32>,
      %scan3A_87 = arith.constant 0 : i32
      scf.yield %scan3A_87 : i32
    }
    %scan3A_40 = arith.constant 40 : i32
    %scan3A_41 = arith.constant 0 : i32
    %scan3A_42 = arith.constant 0 : i32
    %scan3A_43 = arith.constant 79 : i32
    %scan3A_44 = arith.addi %scan3A_42, %scan3A_43 : i32
    %scan3A_45 = arith.constant 1 : i32
    %scan3A_46 = scf.for %scan3A_79 = %scan3A_42 to %scan3A_44 step %scan3A_45 iter_args(%scan3A_80 = %scan3A_41) -> (i32)  : i32 {
      %swap3A_81 = arith.index_cast %scan3A_79 : i32 to index
      %swap3A_82 = arith.constant 0 : index
      %swap3A_83 = tpu.vector_load %arg11[%swap3A_81, %swap3A_82] {strides = array<i32>} : memref<79x128xf32, #tpu.memory_space<vmem>>, vector<1x16xf32>,
      %swap3A_84 = vector.shape_cast %swap3A_83 : vector<1x16xf32> to vector<16xf32>
      %swap3A_85 = vector.shape_cast %broadcast_in_dim3A_1 : vector<16xf32> to vector<1x16xf32>
      tpu.vector_store %arg11[%swap3A_81, %swap3A_82], %swap3A_85 {strides = array<i32>} : memref<79x128xf32, #tpu.memory_space<vmem>>, vector<1x16xf32>,
      %swap3A_86 = arith.index_cast %scan3A_79 : i32 to index
      %swap3A_87 = arith.constant 16 : index
      %swap3A_88 = tpu.vector_load %arg11[%swap3A_86, %swap3A_87] {strides = array<i32>} : memref<79x128xf32, #tpu.memory_space<vmem>>, vector<1x16xf32>,
      %swap3A_89 = vector.shape_cast %swap3A_88 : vector<1x16xf32> to vector<16xf32>
      %swap3A_90 = vector.shape_cast %broadcast_in_dim3A_1 : vector<16xf32> to vector<1x16xf32>
      tpu.vector_store %arg11[%swap3A_86, %swap3A_87], %swap3A_90 {strides = array<i32>} : memref<79x128xf32, #tpu.memory_space<vmem>>, vector<1x16xf32>,
      %swap3A_91 = arith.index_cast %scan3A_79 : i32 to index
      %swap3A_92 = arith.constant 32 : index
      %swap3A_93 = tpu.vector_load %arg11[%swap3A_91, %swap3A_92] {strides = array<i32>} : memref<79x128xf32, #tpu.memory_space<vmem>>, vector<1x16xf32>,
      %swap3A_94 = vector.shape_cast %swap3A_93 : vector<1x16xf32> to vector<16xf32>
      %swap3A_95 = vector.shape_cast %broadcast_in_dim3A_1 : vector<16xf32> to vector<1x16xf32>
      tpu.vector_store %arg11[%swap3A_91, %swap3A_92], %swap3A_95 {strides = array<i32>} : memref<79x128xf32, #tpu.memory_space<vmem>>, vector<1x16xf32>,
      %swap3A_96 = arith.index_cast %scan3A_79 : i32 to index
      %swap3A_97 = arith.constant 48 : index
      %swap3A_98 = tpu.vector_load %arg11[%swap3A_96, %swap3A_97] {strides = array<i32>} : memref<79x128xf32, #tpu.memory_space<vmem>>, vector<1x16xf32>,
      %swap3A_99 = vector.shape_cast %swap3A_98 : vector<1x16xf32> to vector<16xf32>
      %swap3A_100 = vector.shape_cast %broadcast_in_dim3A_1 : vector<16xf32> to vector<1x16xf32>
      tpu.vector_store %arg11[%swap3A_96, %swap3A_97], %swap3A_100 {strides = array<i32>} : memref<79x128xf32, #tpu.memory_space<vmem>>, vector<1x16xf32>,
      %swap3A_101 = arith.index_cast %scan3A_79 : i32 to index
      %swap3A_102 = arith.constant 64 : index
      %swap3A_103 = tpu.vector_load %arg11[%swap3A_101, %swap3A_102] {strides = array<i32>} : memref<79x128xf32, #tpu.memory_space<vmem>>, vector<1x16xf32>,
      %swap3A_104 = vector.shape_cast %swap3A_103 : vector<1x16xf32> to vector<16xf32>
      %swap3A_105 = vector.shape_cast %broadcast_in_dim3A_1 : vector<16xf32> to vector<1x16xf32>
      tpu.vector_store %arg11[%swap3A_101, %swap3A_102], %swap3A_105 {strides = array<i32>} : memref<79x128xf32, #tpu.memory_space<vmem>>, vector<1x16xf32>,
      %swap3A_106 = arith.index_cast %scan3A_79 : i32 to index
      %swap3A_107 = arith.constant 80 : index
      %swap3A_108 = tpu.vector_load %arg11[%swap3A_106, %swap3A_107] {strides = array<i32>} : memref<79x128xf32, #tpu.memory_space<vmem>>, vector<1x16xf32>,
      %swap3A_109 = vector.shape_cast %swap3A_108 : vector<1x16xf32> to vector<16xf32>
      %swap3A_110 = vector.shape_cast %broadcast_in_dim3A_1 : vector<16xf32> to vector<1x16xf32>
      tpu.vector_store %arg11[%swap3A_106, %swap3A_107], %swap3A_110 {strides = array<i32>} : memref<79x128xf32, #tpu.memory_space<vmem>>, vector<1x16xf32>,
      %swap3A_111 = arith.index_cast %scan3A_79 : i32 to index
      %swap3A_112 = arith.constant 96 : index
      %swap3A_113 = tpu.vector_load %arg11[%swap3A_111, %swap3A_112] {strides = array<i32>} : memref<79x128xf32, #tpu.memory_space<vmem>>, vector<1x16xf32>,
      %swap3A_114 = vector.shape_cast %swap3A_113 : vector<1x16xf32> to vector<16xf32>
      %swap3A_115 = vector.shape_cast %broadcast_in_dim3A_1 : vector<16xf32> to vector<1x16xf32>
      tpu.vector_store %arg11[%swap3A_111, %swap3A_112], %swap3A_115 {strides = array<i32>} : memref<79x128xf32, #tpu.memory_space<vmem>>, vector<1x16xf32>,
      %swap3A_116 = arith.index_cast %scan3A_79 : i32 to index
      %swap3A_117 = arith.constant 112 : index
      %swap3A_118 = tpu.vector_load %arg11[%swap3A_116, %swap3A_117] {strides = array<i32>} : memref<79x128xf32, #tpu.memory_space<vmem>>, vector<1x16xf32>,
      %swap3A_119 = vector.shape_cast %swap3A_118 : vector<1x16xf32> to vector<16xf32>
      %swap3A_120 = vector.shape_cast %broadcast_in_dim3A_1 : vector<16xf32> to vector<1x16xf32>
      tpu.vector_store %arg11[%swap3A_116, %swap3A_117], %swap3A_120 {strides = array<i32>} : memref<79x128xf32, #tpu.memory_space<vmem>>, vector<1x16xf32>,
      %scan3A_121 = arith.constant 0 : i32
      scf.yield %scan3A_121 : i32
    }
    %scan3A_47 = arith.constant 79 : i32
    %mul3A_48 = arith.constant 632 : i32
    %mul3A_49 = arith.muli %arg1, %mul3A_48 : i32
    %add3A_50 = arith.constant 0 : i32
    %add3A_51 = arith.addi %mul3A_49, %add3A_50 : i32
    "tpu.region"() ({
      %run_scoped3A = tpu.sem_alloc : memref<!tpu.dma_semaphore, #tpu.memory_space<semaphore_mem>>
      %dma_start3A = arith.constant 0 : i32
      %dma_start3A_79 = tpu.memref_slice %arg13[%add3A_51, %dma_start3A] : memref<10112x128xf32, #tpu.memory_space<vmem_shared>> -> memref<79x128xf32, #tpu.memory_space<vmem_shared>>
      %dma_start3A_80 = arith.constant 0 : i32
      %dma_start3A_81 = tpu.memref_slice %arg13[%add3A_51, %dma_start3A_80] : memref<10112x128xf32, #tpu.memory_space<vmem_shared>> -> memref<79x128xf32, #tpu.memory_space<vmem_shared>>
      tpu.enqueue_dma source(%arg11 : memref<79x128xf32, #tpu.memory_space<vmem>>) target(%dma_start3A_81 : memref<79x128xf32, #tpu.memory_space<vmem_shared>>) target_semaphore(%run_scoped3A : memref<!tpu.dma_semaphore, #tpu.memory_space<semaphore_mem>>)
      %dma_wait3A = arith.constant 0 : i32
      %dma_wait3A_82 = tpu.memref_slice %arg13[%add3A_51, %dma_wait3A] : memref<10112x128xf32, #tpu.memory_space<vmem_shared>> -> memref<79x128xf32, #tpu.memory_space<vmem_shared>>
      %dma_wait3A_83 = arith.constant 0 : i32
      %dma_wait3A_84 = tpu.memref_slice %arg13[%add3A_51, %dma_wait3A_83] : memref<10112x128xf32, #tpu.memory_space<vmem_shared>> -> memref<79x128xf32, #tpu.memory_space<vmem_shared>>
      tpu.wait_dma2 semaphore(%run_scoped3A : memref<!tpu.dma_semaphore, #tpu.memory_space<semaphore_mem>>) src(%arg11 : memref<79x128xf32, #tpu.memory_space<vmem>>) dst(%dma_wait3A_84 : memref<79x128xf32, #tpu.memory_space<vmem_shared>>)
      tpu.yield
    }) : () -> ()
    %add3A_52 = arith.constant 79 : i32
    %add3A_53 = arith.addi %mul3A_49, %add3A_52 : i32
    "tpu.region"() ({
      %run_scoped3A = tpu.sem_alloc : memref<!tpu.dma_semaphore, #tpu.memory_space<semaphore_mem>>
      %dma_start3A = arith.constant 0 : i32
      %dma_start3A_79 = tpu.memref_slice %arg13[%add3A_53, %dma_start3A] : memref<10112x128xf32, #tpu.memory_space<vmem_shared>> -> memref<79x128xf32, #tpu.memory_space<vmem_shared>>
      %dma_start3A_80 = arith.constant 0 : i32
      %dma_start3A_81 = tpu.memref_slice %arg13[%add3A_53, %dma_start3A_80] : memref<10112x128xf32, #tpu.memory_space<vmem_shared>> -> memref<79x128xf32, #tpu.memory_space<vmem_shared>>
      tpu.enqueue_dma source(%arg11 : memref<79x128xf32, #tpu.memory_space<vmem>>) target(%dma_start3A_81 : memref<79x128xf32, #tpu.memory_space<vmem_shared>>) target_semaphore(%run_scoped3A : memref<!tpu.dma_semaphore, #tpu.memory_space<semaphore_mem>>)
      %dma_wait3A = arith.constant 0 : i32
      %dma_wait3A_82 = tpu.memref_slice %arg13[%add3A_53, %dma_wait3A] : memref<10112x128xf32, #tpu.memory_space<vmem_shared>> -> memref<79x128xf32, #tpu.memory_space<vmem_shared>>
      %dma_wait3A_83 = arith.constant 0 : i32
      %dma_wait3A_84 = tpu.memref_slice %arg13[%add3A_53, %dma_wait3A_83] : memref<10112x128xf32, #tpu.memory_space<vmem_shared>> -> memref<79x128xf32, #tpu.memory_space<vmem_shared>>
      tpu.wait_dma2 semaphore(%run_scoped3A : memref<!tpu.dma_semaphore, #tpu.memory_space<semaphore_mem>>) src(%arg11 : memref<79x128xf32, #tpu.memory_space<vmem>>) dst(%dma_wait3A_84 : memref<79x128xf32, #tpu.memory_space<vmem_shared>>)
      tpu.yield
    }) : () -> ()
    %add3A_54 = arith.constant 158 : i32
    %add3A_55 = arith.addi %mul3A_49, %add3A_54 : i32
    "tpu.region"() ({
      %run_scoped3A = tpu.sem_alloc : memref<!tpu.dma_semaphore, #tpu.memory_space<semaphore_mem>>
      %dma_start3A = arith.constant 0 : i32
      %dma_start3A_79 = tpu.memref_slice %arg13[%add3A_55, %dma_start3A] : memref<10112x128xf32, #tpu.memory_space<vmem_shared>> -> memref<79x128xf32, #tpu.memory_space<vmem_shared>>
      %dma_start3A_80 = arith.constant 0 : i32
      %dma_start3A_81 = tpu.memref_slice %arg13[%add3A_55, %dma_start3A_80] : memref<10112x128xf32, #tpu.memory_space<vmem_shared>> -> memref<79x128xf32, #tpu.memory_space<vmem_shared>>
      tpu.enqueue_dma source(%arg11 : memref<79x128xf32, #tpu.memory_space<vmem>>) target(%dma_start3A_81 : memref<79x128xf32, #tpu.memory_space<vmem_shared>>) target_semaphore(%run_scoped3A : memref<!tpu.dma_semaphore, #tpu.memory_space<semaphore_mem>>)
      %dma_wait3A = arith.constant 0 : i32
      %dma_wait3A_82 = tpu.memref_slice %arg13[%add3A_55, %dma_wait3A] : memref<10112x128xf32, #tpu.memory_space<vmem_shared>> -> memref<79x128xf32, #tpu.memory_space<vmem_shared>>
      %dma_wait3A_83 = arith.constant 0 : i32
      %dma_wait3A_84 = tpu.memref_slice %arg13[%add3A_55, %dma_wait3A_83] : memref<10112x128xf32, #tpu.memory_space<vmem_shared>> -> memref<79x128xf32, #tpu.memory_space<vmem_shared>>
      tpu.wait_dma2 semaphore(%run_scoped3A : memref<!tpu.dma_semaphore, #tpu.memory_space<semaphore_mem>>) src(%arg11 : memref<79x128xf32, #tpu.memory_space<vmem>>) dst(%dma_wait3A_84 : memref<79x128xf32, #tpu.memory_space<vmem_shared>>)
      tpu.yield
    }) : () -> ()
    %add3A_56 = arith.constant 237 : i32
    %add3A_57 = arith.addi %mul3A_49, %add3A_56 : i32
    "tpu.region"() ({
      %run_scoped3A = tpu.sem_alloc : memref<!tpu.dma_semaphore, #tpu.memory_space<semaphore_mem>>
      %dma_start3A = arith.constant 0 : i32
      %dma_start3A_79 = tpu.memref_slice %arg13[%add3A_57, %dma_start3A] : memref<10112x128xf32, #tpu.memory_space<vmem_shared>> -> memref<79x128xf32, #tpu.memory_space<vmem_shared>>
      %dma_start3A_80 = arith.constant 0 : i32
      %dma_start3A_81 = tpu.memref_slice %arg13[%add3A_57, %dma_start3A_80] : memref<10112x128xf32, #tpu.memory_space<vmem_shared>> -> memref<79x128xf32, #tpu.memory_space<vmem_shared>>
      tpu.enqueue_dma source(%arg11 : memref<79x128xf32, #tpu.memory_space<vmem>>) target(%dma_start3A_81 : memref<79x128xf32, #tpu.memory_space<vmem_shared>>) target_semaphore(%run_scoped3A : memref<!tpu.dma_semaphore, #tpu.memory_space<semaphore_mem>>)
      %dma_wait3A = arith.constant 0 : i32
      %dma_wait3A_82 = tpu.memref_slice %arg13[%add3A_57, %dma_wait3A] : memref<10112x128xf32, #tpu.memory_space<vmem_shared>> -> memref<79x128xf32, #tpu.memory_space<vmem_shared>>
      %dma_wait3A_83 = arith.constant 0 : i32
      %dma_wait3A_84 = tpu.memref_slice %arg13[%add3A_57, %dma_wait3A_83] : memref<10112x128xf32, #tpu.memory_space<vmem_shared>> -> memref<79x128xf32, #tpu.memory_space<vmem_shared>>
      tpu.wait_dma2 semaphore(%run_scoped3A : memref<!tpu.dma_semaphore, #tpu.memory_space<semaphore_mem>>) src(%arg11 : memref<79x128xf32, #tpu.memory_space<vmem>>) dst(%dma_wait3A_84 : memref<79x128xf32, #tpu.memory_space<vmem_shared>>)
      tpu.yield
    }) : () -> ()
    %add3A_58 = arith.constant 316 : i32
    %add3A_59 = arith.addi %mul3A_49, %add3A_58 : i32
    "tpu.region"() ({
      %run_scoped3A = tpu.sem_alloc : memref<!tpu.dma_semaphore, #tpu.memory_space<semaphore_mem>>
      %dma_start3A = arith.constant 0 : i32
      %dma_start3A_79 = tpu.memref_slice %arg13[%add3A_59, %dma_start3A] : memref<10112x128xf32, #tpu.memory_space<vmem_shared>> -> memref<79x128xf32, #tpu.memory_space<vmem_shared>>
      %dma_start3A_80 = arith.constant 0 : i32
      %dma_start3A_81 = tpu.memref_slice %arg13[%add3A_59, %dma_start3A_80] : memref<10112x128xf32, #tpu.memory_space<vmem_shared>> -> memref<79x128xf32, #tpu.memory_space<vmem_shared>>
      tpu.enqueue_dma source(%arg11 : memref<79x128xf32, #tpu.memory_space<vmem>>) target(%dma_start3A_81 : memref<79x128xf32, #tpu.memory_space<vmem_shared>>) target_semaphore(%run_scoped3A : memref<!tpu.dma_semaphore, #tpu.memory_space<semaphore_mem>>)
      %dma_wait3A = arith.constant 0 : i32
      %dma_wait3A_82 = tpu.memref_slice %arg13[%add3A_59, %dma_wait3A] : memref<10112x128xf32, #tpu.memory_space<vmem_shared>> -> memref<79x128xf32, #tpu.memory_space<vmem_shared>>
      %dma_wait3A_83 = arith.constant 0 : i32
      %dma_wait3A_84 = tpu.memref_slice %arg13[%add3A_59, %dma_wait3A_83] : memref<10112x128xf32, #tpu.memory_space<vmem_shared>> -> memref<79x128xf32, #tpu.memory_space<vmem_shared>>
      tpu.wait_dma2 semaphore(%run_scoped3A : memref<!tpu.dma_semaphore, #tpu.memory_space<semaphore_mem>>) src(%arg11 : memref<79x128xf32, #tpu.memory_space<vmem>>) dst(%dma_wait3A_84 : memref<79x128xf32, #tpu.memory_space<vmem_shared>>)
      tpu.yield
    }) : () -> ()
    %add3A_60 = arith.constant 395 : i32
    %add3A_61 = arith.addi %mul3A_49, %add3A_60 : i32
    "tpu.region"() ({
      %run_scoped3A = tpu.sem_alloc : memref<!tpu.dma_semaphore, #tpu.memory_space<semaphore_mem>>
      %dma_start3A = arith.constant 0 : i32
      %dma_start3A_79 = tpu.memref_slice %arg13[%add3A_61, %dma_start3A] : memref<10112x128xf32, #tpu.memory_space<vmem_shared>> -> memref<79x128xf32, #tpu.memory_space<vmem_shared>>
      %dma_start3A_80 = arith.constant 0 : i32
      %dma_start3A_81 = tpu.memref_slice %arg13[%add3A_61, %dma_start3A_80] : memref<10112x128xf32, #tpu.memory_space<vmem_shared>> -> memref<79x128xf32, #tpu.memory_space<vmem_shared>>
      tpu.enqueue_dma source(%arg11 : memref<79x128xf32, #tpu.memory_space<vmem>>) target(%dma_start3A_81 : memref<79x128xf32, #tpu.memory_space<vmem_shared>>) target_semaphore(%run_scoped3A : memref<!tpu.dma_semaphore, #tpu.memory_space<semaphore_mem>>)
      %dma_wait3A = arith.constant 0 : i32
      %dma_wait3A_82 = tpu.memref_slice %arg13[%add3A_61, %dma_wait3A] : memref<10112x128xf32, #tpu.memory_space<vmem_shared>> -> memref<79x128xf32, #tpu.memory_space<vmem_shared>>
      %dma_wait3A_83 = arith.constant 0 : i32
      %dma_wait3A_84 = tpu.memref_slice %arg13[%add3A_61, %dma_wait3A_83] : memref<10112x128xf32, #tpu.memory_space<vmem_shared>> -> memref<79x128xf32, #tpu.memory_space<vmem_shared>>
      tpu.wait_dma2 semaphore(%run_scoped3A : memref<!tpu.dma_semaphore, #tpu.memory_space<semaphore_mem>>) src(%arg11 : memref<79x128xf32, #tpu.memory_space<vmem>>) dst(%dma_wait3A_84 : memref<79x128xf32, #tpu.memory_space<vmem_shared>>)
      tpu.yield
    }) : () -> ()
    %add3A_62 = arith.constant 474 : i32
    %add3A_63 = arith.addi %mul3A_49, %add3A_62 : i32
    "tpu.region"() ({
      %run_scoped3A = tpu.sem_alloc : memref<!tpu.dma_semaphore, #tpu.memory_space<semaphore_mem>>
      %dma_start3A = arith.constant 0 : i32
      %dma_start3A_79 = tpu.memref_slice %arg13[%add3A_63, %dma_start3A] : memref<10112x128xf32, #tpu.memory_space<vmem_shared>> -> memref<79x128xf32, #tpu.memory_space<vmem_shared>>
      %dma_start3A_80 = arith.constant 0 : i32
      %dma_start3A_81 = tpu.memref_slice %arg13[%add3A_63, %dma_start3A_80] : memref<10112x128xf32, #tpu.memory_space<vmem_shared>> -> memref<79x128xf32, #tpu.memory_space<vmem_shared>>
      tpu.enqueue_dma source(%arg11 : memref<79x128xf32, #tpu.memory_space<vmem>>) target(%dma_start3A_81 : memref<79x128xf32, #tpu.memory_space<vmem_shared>>) target_semaphore(%run_scoped3A : memref<!tpu.dma_semaphore, #tpu.memory_space<semaphore_mem>>)
      %dma_wait3A = arith.constant 0 : i32
      %dma_wait3A_82 = tpu.memref_slice %arg13[%add3A_63, %dma_wait3A] : memref<10112x128xf32, #tpu.memory_space<vmem_shared>> -> memref<79x128xf32, #tpu.memory_space<vmem_shared>>
      %dma_wait3A_83 = arith.constant 0 : i32
      %dma_wait3A_84 = tpu.memref_slice %arg13[%add3A_63, %dma_wait3A_83] : memref<10112x128xf32, #tpu.memory_space<vmem_shared>> -> memref<79x128xf32, #tpu.memory_space<vmem_shared>>
      tpu.wait_dma2 semaphore(%run_scoped3A : memref<!tpu.dma_semaphore, #tpu.memory_space<semaphore_mem>>) src(%arg11 : memref<79x128xf32, #tpu.memory_space<vmem>>) dst(%dma_wait3A_84 : memref<79x128xf32, #tpu.memory_space<vmem_shared>>)
      tpu.yield
    }) : () -> ()
    %add3A_64 = arith.constant 553 : i32
    %add3A_65 = arith.addi %mul3A_49, %add3A_64 : i32
    "tpu.region"() ({
      %run_scoped3A = tpu.sem_alloc : memref<!tpu.dma_semaphore, #tpu.memory_space<semaphore_mem>>
      %dma_start3A = arith.constant 0 : i32
      %dma_start3A_79 = tpu.memref_slice %arg13[%add3A_65, %dma_start3A] : memref<10112x128xf32, #tpu.memory_space<vmem_shared>> -> memref<79x128xf32, #tpu.memory_space<vmem_shared>>
      %dma_start3A_80 = arith.constant 0 : i32
      %dma_start3A_81 = tpu.memref_slice %arg13[%add3A_65, %dma_start3A_80] : memref<10112x128xf32, #tpu.memory_space<vmem_shared>> -> memref<79x128xf32, #tpu.memory_space<vmem_shared>>
      tpu.enqueue_dma source(%arg11 : memref<79x128xf32, #tpu.memory_space<vmem>>) target(%dma_start3A_81 : memref<79x128xf32, #tpu.memory_space<vmem_shared>>) target_semaphore(%run_scoped3A : memref<!tpu.dma_semaphore, #tpu.memory_space<semaphore_mem>>)
      %dma_wait3A = arith.constant 0 : i32
      %dma_wait3A_82 = tpu.memref_slice %arg13[%add3A_65, %dma_wait3A] : memref<10112x128xf32, #tpu.memory_space<vmem_shared>> -> memref<79x128xf32, #tpu.memory_space<vmem_shared>>
      %dma_wait3A_83 = arith.constant 0 : i32
      %dma_wait3A_84 = tpu.memref_slice %arg13[%add3A_65, %dma_wait3A_83] : memref<10112x128xf32, #tpu.memory_space<vmem_shared>> -> memref<79x128xf32, #tpu.memory_space<vmem_shared>>
      tpu.wait_dma2 semaphore(%run_scoped3A : memref<!tpu.dma_semaphore, #tpu.memory_space<semaphore_mem>>) src(%arg11 : memref<79x128xf32, #tpu.memory_space<vmem>>) dst(%dma_wait3A_84 : memref<79x128xf32, #tpu.memory_space<vmem_shared>>)
      tpu.yield
    }) : () -> ()
    "tpu.region"() ({
      %run_scoped3A = tpu.sem_alloc : memref<!tpu.dma_semaphore, #tpu.memory_space<semaphore_mem>>
      %dma_start3A = arith.constant 0 : i32
      %dma_start3A_79 = tpu.memref_slice %arg12[%dma_start3A] : memref<640xf32, #tpu.memory_space<vmem>> -> memref<632xf32, #tpu.memory_space<vmem>>
      %dma_start3A_80 = tpu.memref_slice %arg14[%mul3A_49] : memref<10112xf32, #tpu.memory_space<vmem_shared>> -> memref<632xf32, #tpu.memory_space<vmem_shared>>
      %dma_start3A_81 = tpu.memref_slice %arg14[%mul3A_49] : memref<10112xf32, #tpu.memory_space<vmem_shared>> -> memref<632xf32, #tpu.memory_space<vmem_shared>>
      %dma_start3A_82 = arith.constant 0 : i32
      %dma_start3A_83 = tpu.memref_slice %arg12[%dma_start3A_82] : memref<640xf32, #tpu.memory_space<vmem>> -> memref<632xf32, #tpu.memory_space<vmem>>
      tpu.enqueue_dma source(%dma_start3A_83 : memref<632xf32, #tpu.memory_space<vmem>>) target(%dma_start3A_81 : memref<632xf32, #tpu.memory_space<vmem_shared>>) target_semaphore(%run_scoped3A : memref<!tpu.dma_semaphore, #tpu.memory_space<semaphore_mem>>)
      %dma_wait3A = arith.constant 0 : i32
      %dma_wait3A_84 = tpu.memref_slice %arg12[%dma_wait3A] : memref<640xf32, #tpu.memory_space<vmem>> -> memref<632xf32, #tpu.memory_space<vmem>>
      %dma_wait3A_85 = tpu.memref_slice %arg14[%mul3A_49] : memref<10112xf32, #tpu.memory_space<vmem_shared>> -> memref<632xf32, #tpu.memory_space<vmem_shared>>
      %dma_wait3A_86 = tpu.memref_slice %arg14[%mul3A_49] : memref<10112xf32, #tpu.memory_space<vmem_shared>> -> memref<632xf32, #tpu.memory_space<vmem_shared>>
      %dma_wait3A_87 = arith.constant 0 : i32
      %dma_wait3A_88 = tpu.memref_slice %arg12[%dma_wait3A_87] : memref<640xf32, #tpu.memory_space<vmem>> -> memref<632xf32, #tpu.memory_space<vmem>>
      tpu.wait_dma2 semaphore(%run_scoped3A : memref<!tpu.dma_semaphore, #tpu.memory_space<semaphore_mem>>) src(%dma_wait3A_88 : memref<632xf32, #tpu.memory_space<vmem>>) dst(%dma_wait3A_86 : memref<632xf32, #tpu.memory_space<vmem_shared>>)
      tpu.yield
    }) : () -> ()
    %barrier3A = arith.constant 0 : index
    tpu.barrier barrier_id(%barrier3A)
    %mul3A_66 = arith.constant 10240 : i32
    %mul3A_67 = arith.muli %add3A, %mul3A_66 : i32
    %scan3A_68 = arith.constant 0 : i32
    %scan3A_69 = arith.constant 0 : i32
    %scan3A_70 = arith.constant 80 : i32
    %scan3A_71 = arith.addi %scan3A_69, %scan3A_70 : i32
    %scan3A_72 = arith.constant 1 : i32
    %scan3A_73 = scf.for %scan3A_79 = %scan3A_69 to %scan3A_71 step %scan3A_72 iter_args(%scan3A_80 = %scan3A_68) -> (i32)  : i32 {
      %mul3A_81 = arith.constant 128 : i32
      %mul3A_82 = arith.muli %scan3A_79, %mul3A_81 : i32
      %add3A_83 = arith.addi %mul3A_67, %mul3A_82 : i32
      "tpu.region"() ({
        %run_scoped3A = tpu.sem_alloc : memref<!tpu.dma_semaphore, #tpu.memory_space<semaphore_mem>>
        %dma_start3A_89 = tpu.memref_slice %arg3[%add3A_83] : memref<327680xi32, #tpu.memory_space<hbm>> -> memref<128xi32, #tpu.memory_space<hbm>>
        %dma_start3A_90 = tpu.memref_slice %arg3[%add3A_83] : memref<327680xi32, #tpu.memory_space<hbm>> -> memref<128xi32, #tpu.memory_space<hbm>>
        tpu.enqueue_dma source(%dma_start3A_90 : memref<128xi32, #tpu.memory_space<hbm>>) target(%arg7 : memref<128xi32, #tpu.memory_space<vmem>>) target_semaphore(%run_scoped3A : memref<!tpu.dma_semaphore, #tpu.memory_space<semaphore_mem>>)
        %dma_wait3A_91 = tpu.memref_slice %arg3[%add3A_83] : memref<327680xi32, #tpu.memory_space<hbm>> -> memref<128xi32, #tpu.memory_space<hbm>>
        %dma_wait3A_92 = tpu.memref_slice %arg3[%add3A_83] : memref<327680xi32, #tpu.memory_space<hbm>> -> memref<128xi32, #tpu.memory_space<hbm>>
        tpu.wait_dma2 semaphore(%run_scoped3A : memref<!tpu.dma_semaphore, #tpu.memory_space<semaphore_mem>>) src(%dma_wait3A_92 : memref<128xi32, #tpu.memory_space<hbm>>) dst(%arg7 : memref<128xi32, #tpu.memory_space<vmem>>)
        tpu.yield
      }) : () -> ()
      "tpu.region"() ({
        %run_scoped3A = tpu.sem_alloc : memref<!tpu.dma_semaphore, #tpu.memory_space<semaphore_mem>>
        %dma_start3A_89 = tpu.memref_slice %arg4[%add3A_83] : memref<327680xi32, #tpu.memory_space<hbm>> -> memref<128xi32, #tpu.memory_space<hbm>>
        %dma_start3A_90 = tpu.memref_slice %arg4[%add3A_83] : memref<327680xi32, #tpu.memory_space<hbm>> -> memref<128xi32, #tpu.memory_space<hbm>>
        tpu.enqueue_dma source(%dma_start3A_90 : memref<128xi32, #tpu.memory_space<hbm>>) target(%arg8 : memref<128xi32, #tpu.memory_space<vmem>>) target_semaphore(%run_scoped3A : memref<!tpu.dma_semaphore, #tpu.memory_space<semaphore_mem>>)
        %dma_wait3A_91 = tpu.memref_slice %arg4[%add3A_83] : memref<327680xi32, #tpu.memory_space<hbm>> -> memref<128xi32, #tpu.memory_space<hbm>>
        %dma_wait3A_92 = tpu.memref_slice %arg4[%add3A_83] : memref<327680xi32, #tpu.memory_space<hbm>> -> memref<128xi32, #tpu.memory_space<hbm>>
        tpu.wait_dma2 semaphore(%run_scoped3A : memref<!tpu.dma_semaphore, #tpu.memory_space<semaphore_mem>>) src(%dma_wait3A_92 : memref<128xi32, #tpu.memory_space<hbm>>) dst(%arg8 : memref<128xi32, #tpu.memory_space<vmem>>)
        tpu.yield
      }) : () -> ()
      %dma_start3A = arith.constant 0 : i32
      %dma_start3A_84 = arith.constant 0 : i32
      %dma_start3A_85 = tpu.memref_slice %arg2[%dma_start3A, %dma_start3A_84] : memref<10000x128xf32, #tpu.memory_space<hbm>> -> memref<10000x128xf32, #tpu.memory_space<hbm>>
      tpu.enqueue_indirect_dma source(%dma_start3A_85 : memref<10000x128xf32, #tpu.memory_space<hbm>>) target(%arg9 : memref<128x128xf32, #tpu.memory_space<vmem>>) offsets(%arg7 : memref<128xi32, #tpu.memory_space<vmem>>) semaphore(%arg15 : memref<!tpu.dma_semaphore, #tpu.memory_space<semaphore_mem>>)
      %dma_wait3A = arith.constant 0 : i32
      %dma_wait3A_86 = arith.constant 0 : i32
      %dma_wait3A_87 = tpu.memref_slice %arg2[%dma_wait3A, %dma_wait3A_86] : memref<10000x128xf32, #tpu.memory_space<hbm>> -> memref<10000x128xf32, #tpu.memory_space<hbm>>
      tpu.wait_indirect_dma semaphore(%arg15 : memref<!tpu.dma_semaphore, #tpu.memory_space<semaphore_mem>>) src(%dma_wait3A_87 : memref<10000x128xf32, #tpu.memory_space<hbm>>) dst(%arg9 : memref<128x128xf32, #tpu.memory_space<vmem>>)
      "tpu.region"() ({
        %run_scoped3A = tpu.sem_alloc : memref<!tpu.dma_semaphore, #tpu.memory_space<semaphore_mem>>
        %dma_start3A_89 = arith.constant 0 : i32
        %dma_start3A_90 = arith.constant 0 : i32
        %dma_start3A_91 = tpu.memref_slice %arg13[%dma_start3A_89, %dma_start3A_90] : memref<10112x128xf32, #tpu.memory_space<vmem_shared>> -> memref<10112x128xf32, #tpu.memory_space<vmem_shared>>
        tpu.enqueue_indirect_dma source(%arg9 : memref<128x128xf32, #tpu.memory_space<vmem>>) target(%dma_start3A_91 : memref<10112x128xf32, #tpu.memory_space<vmem_shared>>) offsets(%arg8 : memref<128xi32, #tpu.memory_space<vmem>>) semaphore(%run_scoped3A : memref<!tpu.dma_semaphore, #tpu.memory_space<semaphore_mem>>) {add = true}
        %dma_wait3A_92 = arith.constant 0 : i32
        %dma_wait3A_93 = arith.constant 0 : i32
        %dma_wait3A_94 = tpu.memref_slice %arg13[%dma_wait3A_92, %dma_wait3A_93] : memref<10112x128xf32, #tpu.memory_space<vmem_shared>> -> memref<10112x128xf32, #tpu.memory_space<vmem_shared>>
        tpu.wait_indirect_dma semaphore(%run_scoped3A : memref<!tpu.dma_semaphore, #tpu.memory_space<semaphore_mem>>) src(%arg9 : memref<128x128xf32, #tpu.memory_space<vmem>>) dst(%dma_wait3A_94 : memref<10112x128xf32, #tpu.memory_space<vmem_shared>>)
        tpu.yield
      }) : () -> ()
      "tpu.region"() ({
        %run_scoped3A = tpu.sem_alloc : memref<!tpu.dma_semaphore, #tpu.memory_space<semaphore_mem>>
        %dma_start3A_89 = arith.constant 0 : i32
        %dma_start3A_90 = tpu.memref_slice %arg14[%dma_start3A_89] : memref<10112xf32, #tpu.memory_space<vmem_shared>> -> memref<10112xf32, #tpu.memory_space<vmem_shared>>
        tpu.enqueue_indirect_dma source(%arg10 : memref<128xf32, #tpu.memory_space<vmem>>) target(%dma_start3A_90 : memref<10112xf32, #tpu.memory_space<vmem_shared>>) offsets(%arg8 : memref<128xi32, #tpu.memory_space<vmem>>) semaphore(%run_scoped3A : memref<!tpu.dma_semaphore, #tpu.memory_space<semaphore_mem>>) {add = true}
        %dma_wait3A_91 = arith.constant 0 : i32
        %dma_wait3A_92 = tpu.memref_slice %arg14[%dma_wait3A_91] : memref<10112xf32, #tpu.memory_space<vmem_shared>> -> memref<10112xf32, #tpu.memory_space<vmem_shared>>
        tpu.wait_indirect_dma semaphore(%run_scoped3A : memref<!tpu.dma_semaphore, #tpu.memory_space<semaphore_mem>>) src(%arg10 : memref<128xf32, #tpu.memory_space<vmem>>) dst(%dma_wait3A_92 : memref<10112xf32, #tpu.memory_space<vmem_shared>>)
        tpu.yield
      }) : () -> ()
      %scan3A_88 = arith.constant 0 : i32
      scf.yield %scan3A_88 : i32
    }
    %scan3A_74 = arith.constant 80 : i32
    %barrier3A_75 = arith.constant 0 : index
    tpu.barrier barrier_id(%barrier3A_75)
    %mul3A_76 = arith.constant 10112 : i32
    %mul3A_77 = arith.muli %arg0, %mul3A_76 : i32
    %add3A_78 = arith.addi %mul3A_77, %mul3A_49 : i32
    "tpu.region"() ({
      %run_scoped3A = tpu.sem_alloc : memref<!tpu.dma_semaphore, #tpu.memory_space<semaphore_mem>>
      %dma_start3A = arith.constant 0 : i32
      %dma_start3A_79 = tpu.memref_slice %arg5[%add3A_78, %dma_start3A] : memref<20224x128xf32, #tpu.memory_space<hbm>> -> memref<632x128xf32, #tpu.memory_space<hbm>>
      %dma_start3A_80 = arith.constant 0 : i32
      %dma_start3A_81 = tpu.memref_slice %arg13[%mul3A_49, %dma_start3A_80] : memref<10112x128xf32, #tpu.memory_space<vmem_shared>> -> memref<632x128xf32, #tpu.memory_space<vmem_shared>>
      tpu.enqueue_dma source(%dma_start3A_81 : memref<632x128xf32, #tpu.memory_space<vmem_shared>>) target(%dma_start3A_79 : memref<632x128xf32, #tpu.memory_space<hbm>>) target_semaphore(%run_scoped3A : memref<!tpu.dma_semaphore, #tpu.memory_space<semaphore_mem>>)
      %dma_wait3A = arith.constant 0 : i32
      %dma_wait3A_82 = tpu.memref_slice %arg5[%add3A_78, %dma_wait3A] : memref<20224x128xf32, #tpu.memory_space<hbm>> -> memref<632x128xf32, #tpu.memory_space<hbm>>
      %dma_wait3A_83 = arith.constant 0 : i32
      %dma_wait3A_84 = tpu.memref_slice %arg13[%mul3A_49, %dma_wait3A_83] : memref<10112x128xf32, #tpu.memory_space<vmem_shared>> -> memref<632x128xf32, #tpu.memory_space<vmem_shared>>
      tpu.wait_dma2 semaphore(%run_scoped3A : memref<!tpu.dma_semaphore, #tpu.memory_space<semaphore_mem>>) src(%dma_wait3A_84 : memref<632x128xf32, #tpu.memory_space<vmem_shared>>) dst(%dma_wait3A_82 : memref<632x128xf32, #tpu.memory_space<hbm>>)
      tpu.yield
    }) : () -> ()
    "tpu.region"() ({
      %run_scoped3A = tpu.sem_alloc : memref<!tpu.dma_semaphore, #tpu.memory_space<semaphore_mem>>
      %dma_start3A = arith.constant 0 : i32
      %dma_start3A_79 = tpu.memref_slice %arg12[%dma_start3A] : memref<640xf32, #tpu.memory_space<vmem>> -> memref<632xf32, #tpu.memory_space<vmem>>
      %dma_start3A_80 = tpu.memref_slice %arg14[%mul3A_49] : memref<10112xf32, #tpu.memory_space<vmem_shared>> -> memref<632xf32, #tpu.memory_space<vmem_shared>>
      %dma_start3A_81 = arith.constant 0 : i32
      %dma_start3A_82 = tpu.memref_slice %arg12[%dma_start3A_81] : memref<640xf32, #tpu.memory_space<vmem>> -> memref<632xf32, #tpu.memory_space<vmem>>
      %dma_start3A_83 = tpu.memref_slice %arg14[%mul3A_49] : memref<10112xf32, #tpu.memory_space<vmem_shared>> -> memref<632xf32, #tpu.memory_space<vmem_shared>>
      tpu.enqueue_dma source(%dma_start3A_83 : memref<632xf32, #tpu.memory_space<vmem_shared>>) target(%dma_start3A_82 : memref<632xf32, #tpu.memory_space<vmem>>) target_semaphore(%run_scoped3A : memref<!tpu.dma_semaphore, #tpu.memory_space<semaphore_mem>>)
      %dma_wait3A = arith.constant 0 : i32
      %dma_wait3A_84 = tpu.memref_slice %arg12[%dma_wait3A] : memref<640xf32, #tpu.memory_space<vmem>> -> memref<632xf32, #tpu.memory_space<vmem>>
      %dma_wait3A_85 = tpu.memref_slice %arg14[%mul3A_49] : memref<10112xf32, #tpu.memory_space<vmem_shared>> -> memref<632xf32, #tpu.memory_space<vmem_shared>>
      %dma_wait3A_86 = arith.constant 0 : i32
      %dma_wait3A_87 = tpu.memref_slice %arg12[%dma_wait3A_86] : memref<640xf32, #tpu.memory_space<vmem>> -> memref<632xf32, #tpu.memory_space<vmem>>
      %dma_wait3A_88 = tpu.memref_slice %arg14[%mul3A_49] : memref<10112xf32, #tpu.memory_space<vmem_shared>> -> memref<632xf32, #tpu.memory_space<vmem_shared>>
      tpu.wait_dma2 semaphore(%run_scoped3A : memref<!tpu.dma_semaphore, #tpu.memory_space<semaphore_mem>>) src(%dma_wait3A_88 : memref<632xf32, #tpu.memory_space<vmem_shared>>) dst(%dma_wait3A_87 : memref<632xf32, #tpu.memory_space<vmem>>)
      tpu.yield
    }) : () -> ()
    "tpu.region"() ({
      %run_scoped3A = tpu.sem_alloc : memref<!tpu.dma_semaphore, #tpu.memory_space<semaphore_mem>>
      %dma_start3A = arith.constant 0 : i32
      %dma_start3A_79 = tpu.memref_slice %arg12[%dma_start3A] : memref<640xf32, #tpu.memory_space<vmem>> -> memref<632xf32, #tpu.memory_space<vmem>>
      %dma_start3A_80 = tpu.memref_slice %arg6[%add3A_78] : memref<20224xf32, #tpu.memory_space<hbm>> -> memref<632xf32, #tpu.memory_space<hbm>>
      %dma_start3A_81 = tpu.memref_slice %arg6[%add3A_78] : memref<20224xf32, #tpu.memory_space<hbm>> -> memref<632xf32, #tpu.memory_space<hbm>>
      %dma_start3A_82 = arith.constant 0 : i32
      %dma_start3A_83 = tpu.memref_slice %arg12[%dma_start3A_82] : memref<640xf32, #tpu.memory_space<vmem>> -> memref<632xf32, #tpu.memory_space<vmem>>
      tpu.enqueue_dma source(%dma_start3A_83 : memref<632xf32, #tpu.memory_space<vmem>>) target(%dma_start3A_81 : memref<632xf32, #tpu.memory_space<hbm>>) target_semaphore(%run_scoped3A : memref<!tpu.dma_semaphore, #tpu.memory_space<semaphore_mem>>)
      %dma_wait3A = arith.constant 0 : i32
      %dma_wait3A_84 = tpu.memref_slice %arg12[%dma_wait3A] : memref<640xf32, #tpu.memory_space<vmem>> -> memref<632xf32, #tpu.memory_space<vmem>>
      %dma_wait3A_85 = tpu.memref_slice %arg6[%add3A_78] : memref<20224xf32, #tpu.memory_space<hbm>> -> memref<632xf32, #tpu.memory_space<hbm>>
      %dma_wait3A_86 = tpu.memref_slice %arg6[%add3A_78] : memref<20224xf32, #tpu.memory_space<hbm>> -> memref<632xf32, #tpu.memory_space<hbm>>
      %dma_wait3A_87 = arith.constant 0 : i32
      %dma_wait3A_88 = tpu.memref_slice %arg12[%dma_wait3A_87] : memref<640xf32, #tpu.memory_space<vmem>> -> memref<632xf32, #tpu.memory_space<vmem>>
      tpu.wait_dma2 semaphore(%run_scoped3A : memref<!tpu.dma_semaphore, #tpu.memory_space<semaphore_mem>>) src(%dma_wait3A_88 : memref<632xf32, #tpu.memory_space<vmem>>) dst(%dma_wait3A_86 : memref<632xf32, #tpu.memory_space<hbm>>)
      tpu.yield
    }) : () -> ()
    return
  }
}

</mosaic_0001>

<sc_bundles>
// kernel: _sc_segment_sum.3.cloned.1.call-start
scs
__scs_entry_jumppad:
0x0: {  	(pc) =	sbr.rel $0x88, $3  }
0x1: {  	(tag) =	ssettag $0x0;
	lr =	simm.s32 $0x1  }
0x2: {  	[smem:$0x3F9E] =	sst lr;
	_ =	strace $0xD0000000  }
0x3: {  	_ = 	snop  }
0x4: {  	_ = 	snop  }
0x5: {  	_ = 	snop  }
0x6: {  	_ = 	snop  }
0x7: {  	_ = 	snop  }
__scs_overlays_trampoline_lowered:
0x8: {  	[smem:$0x3FAD] =	sst s0  }
0x9: {  	[smem:$0x3FAE] =	sst s1  }
0xa: {  	[smem:$0x3FAF] =	sst s2  }
0xb: {  	[smem:$0x3FB0] =	sst s3  }
0xc: {  	[smem:$0x3FB1] =	sst s4  }
0xd: {  	[smem:$0x3FB2] =	sst s5  }
0xe: {  	[smem:$0x3FB3] =	sst s6  }
0xf: {  	[smem:$0x3FB4] =	sst s7  }
0x10: {  	[smem:$0x3FB5] =	sst s8  }
0x11: {  	[smem:$0x3FB6] =	sst s9;
	s0 =	simm.s32 @!p0 $0x0  }
0x12: {  	s1 =	sld [smem:$0x3F9C];
	s0 =	simm.s32 @p0 $0x1  }
0x13: {  	[smem:$0x3FB7] =	sst s0;
	s0 =	simm.s32 @!p1 $0x0  }
0x14: {  	s2 =	sld [smem:$0x3F9B];
	s0 =	simm.s32 @p1 $0x1  }
0x15: {  	[smem:$0x3FB8] =	sst s0;
	s0 =	simm.s32 @!p2 $0x0  }
0x16: {  	s3 =	sld [smem:$0x3FDB];
	s0 =	simm.s32 @p2 $0x1  }
0x17: {  	s4 =	simm.s32 $0x1BF5;
	[smem:$0x3FBA] =	sst s0  }
0x18: {  	s0 =	sld [smem:$0x3F9D];
	_ =	swait.ge [sflag:s4], $0x0  }
0x19: {  	s7 =	sld [smem:$0x3F9E]  }
0x1a: {  	s8 =	sadd.s32 $0xFFFFE003, lr  }
0x1b: {  	s9 =	sadd.s32 $0xFFFFFEF7, lr;
	s5 =	simm.s32 $0xFFFFFFFF;
	p2 =	slt.u32 s8, $0xFFFFF086  }
0x1c: {  	p1 =	slt.u32 s9, $0xF7A;
	s5 =	simm.s32 @!p2 $0x0  }
0x1d: {  	s5 =	simm.s32 @p1 $0x1;
	p0 =	seq.s32 s7, s2  }
0x1e: {  	s7 =	smul.u32 @!p0 $0xF7A, s2;
	p2 =	seq.s32 @!p0 s5, $0x0  }
0x1f: {  	s9 =	smul.u32 $0xF7A, s1;
	s8 =	simm.s32 @!p0 $0x1BF5;
	p2 =	por !p2, p0  }
0x20: {  	[sflag:s8] =	ssyncset.s32 @!p0 $0xFFFFF086;
	s6 =	sadd.s32 @!p0 s3, s7;
	s7 =	simm.s32 @!p0 $0x108  }
0x21: {  	s3 =	sadd.s32 s3, s9;
	s6 =	sadd.s32 @!p0 $0x88, s6;
	s7 =	simm.s32 @p2 $0x1082  }
0x22: {  	[simem:s7], [sflag:s8] =	dma.local @!p0 [hbm:s6], $0xF7A  }
0x23: {  	s9 =	sor.u32 $0xD0000000, s2;
	s6 =	simm.s32 $0x108;
	_ =	swait.ge @!p0 [sflag:s8], $0x0  }
0x24: {  	s3 =	sadd.s32 $0x88, s3;
	s6 =	simm.s32 @!p1 $0x1082;
	[sflag:s4] =	ssyncset.s32 $0xFFFFF086  }
0x25: {  	[simem:s6], [sflag:s4] =	dma.local [hbm:s3], $0xF7A  }
0x26: {  	[smem:$0x3F9E] =	sst s1;
	(tag) =	ssettag s2;
	_ =	strace s9  }
0x27: {  	s1 =	sld [smem:$0x3FAE]  }
0x28: {  	s2 =	sld [smem:$0x3FAF]  }
0x29: {  	s4 =	sld [smem:$0x3FB1]  }
0x2a: {  	p0 =	seq.s32 s5, $0x0;
	s5 =	sld [smem:$0x3FB2]  }
0x2b: {  	s6 =	sld [smem:$0x3FB3]  }
0x2c: {  	s7 =	sld [smem:$0x3FB4]  }
0x2d: {  	s3 =	simm.s32 $0x108;
	s8 =	sld [smem:$0x3FB5]  }
0x2e: {  	s3 =	simm.s32 @!p0 $0x1082;
	s9 =	sld [smem:$0x3FB6]  }
0x2f: {  	lr =	sadd.s32 s0, s3;
	s0 =	sld [smem:$0x3FAD]  }
0x30: {  	s3 =	sld [smem:$0x3FB0]  }
0x31: {  	[smem:$0x3FB9] =	sst s10  }
0x32: {  	s10 =	sld [smem:$0x3FB7];
	_ =	sdelay $0x3  }
0x33: {  	p0 =	seq.s32 s10, $0x1;
	s10 =	sld [smem:$0x3FB9];
	_ =	sdelay $0x3  }
0x34: {  	[smem:$0x3FB9] =	sst s10  }
0x35: {  	s10 =	sld [smem:$0x3FB8];
	_ =	sdelay $0x3  }
0x36: {  	p1 =	seq.s32 s10, $0x1;
	s10 =	sld [smem:$0x3FB9];
	_ =	sdelay $0x3  }
0x37: {  	[smem:$0x3FB9] =	sst s10  }
0x38: {  	s10 =	sld [smem:$0x3FBA]  }
0x39: {  	_ = 	snop;
	(pc) =	sbr.ind lr, $3  }
0x3a: {  	_ = 	snop  }
0x3b: {  	_ = 	snop  }
0x3c: {  	p2 =	seq.s32 s10, $0x1;
	s10 =	sld [smem:$0x3FB9]  }
0x3d: {  	_ =	shalt  }
0x3e: {  	_ =	shalt  }
0x3f: {  	_ =	shalt  }
0x40: {  	_ =	shalt  }
0x41: {  	_ =	shalt  }
0x42: {  	_ =	shalt  }
0x43: {  	_ =	shalt  }
0x44: {  	_ =	shalt  }
0x45: {  	_ =	shalt  }
0x46: {  	_ =	shalt  }
0x47: {  	_ =	shalt  }
0x48: {  	_ =	shalt  }
0x49: {  	_ =	shalt  }
0x4a: {  	_ =	shalt  }
0x4b: {  	_ =	shalt  }
0x4c: {  	_ =	shalt  }
0x4d: {  	_ =	shalt  }
0x4e: {  	_ =	shalt  }
0x4f: {  	_ =	shalt  }
0x50: {  	_ =	shalt  }
0x51: {  	_ =	shalt  }
0x52: {  	_ =	shalt  }
0x53: {  	_ =	shalt  }
0x54: {  	_ =	shalt  }
0x55: {  	_ =	shalt  }
0x56: {  	_ =	shalt  }
0x57: {  	_ =	shalt  }
0x58: {  	_ =	shalt  }
0x59: {  	_ =	shalt  }
0x5a: {  	_ =	shalt  }
0x5b: {  	_ =	shalt  }
0x5c: {  	_ =	shalt  }
0x5d: {  	_ =	shalt  }
0x5e: {  	_ =	shalt  }
0x5f: {  	_ =	shalt  }
0x60: {  	_ =	shalt  }
0x61: {  	_ =	shalt  }
0x62: {  	_ =	shalt  }
0x63: {  	_ =	shalt  }
0x64: {  	_ =	shalt  }
0x65: {  	_ =	shalt  }
0x66: {  	_ =	shalt  }
0x67: {  	_ =	shalt  }
0x68: {  	_ =	shalt  }
0x69: {  	_ =	shalt  }
0x6a: {  	_ =	shalt  }
0x6b: {  	_ =	shalt  }
0x6c: {  	_ =	shalt  }
0x6d: {  	_ =	shalt  }
0x6e: {  	_ =	shalt  }
0x6f: {  	_ =	shalt  }
0x70: {  	_ =	shalt  }
0x71: {  	_ =	shalt  }
0x72: {  	_ =	shalt  }
0x73: {  	_ =	shalt  }
0x74: {  	_ =	shalt  }
0x75: {  	_ =	shalt  }
0x76: {  	_ =	shalt  }
0x77: {  	_ =	shalt  }
0x78: {  	_ =	shalt  }
0x79: {  	_ =	shalt  }
0x7a: {  	_ =	shalt  }
0x7b: {  	_ =	shalt  }
0x7c: {  	_ =	shalt  }
0x7d: {  	_ =	shalt  }
0x7e: {  	_ =	shalt  }
0x7f: {  	_ =	shalt  }
0x80: {  	_ =	shalt  }
0x81: {  	_ =	shalt  }
0x82: {  	_ =	shalt  }
0x83: {  	_ =	shalt  }
0x84: {  	_ =	shalt  }
0x85: {  	_ =	shalt  }
0x86: {  	_ =	shalt  }
0x87: {  	_ =	shalt  }
.Lfunc_end0:
.L_simem_size_0:
called_computation_lowered:
.L_overlay_start_0:
0x88: {  	s2 =	sld [smem:$0x3FD9]  }
0x89: {  	s3 =	sld [smem:$0x3FFE];
	_ =	sdelay $0x1  }
0x8a: {  	s1 =	srdreg.scid  }
0x8b: {  	s0 =	sand.u32 $0x1, s1  }
0x8c: {  	s15 =	sshll.u32 s0, $0xA;
	s2 =	sadd.s32 s3, s2  }
0x8d: {  	s2 =	sadd.s32 s2, s15  }
0x8e: {  	[smem:$0x3FC5] =	sst s2  }
0x8f: {  	_ = 	snop  }
0x90: {  	s2 =	sld [smem:$0x3FD0]  }
0x91: {  	s16 =	sld [smem:$0x3FC9]  }
0x92: {  	s4 =	sld [smem:$0x3FC8]  }
0x93: {  	s6 =	simm.s32 $0xA;
	s7 =	simm.s32 $0x10;
	s5 =	sld [smem:$0x3FC7]  }
0x94: {  	[smem:s7], [sflag:s6] =	dma.local [hbm:s2], $0x1  }
0x95: {  	_ =	swait.eq [sflag:s6], $0x1  }
0x96: {  	[sflag:s6] =	ssyncset.done $0x0  }
0x97: {  	s17 =	sld [smem:$0x10];
	[sflag:s6] =	ssyncadd.s32 $0xFFFFFFFF  }
0x98: {  	s18 =	sld [smem:$0x11];
	(tm) =	ssettm $0x1  }
0x99: {  	s19 =	sld [smem:$0x3FFB];
	_ =	sdelay $0x3  }
0x9a: {  	_ =	strace s19  }
0x9b: {  	s7 =	sld [smem:$0x3FFC];
	_ =	sdelay $0x3  }
0x9c: {  	_ =	strace s7  }
0x9d: {  	s7 =	sld [smem:$0x3FFD];
	_ =	sdelay $0x3  }
0x9e: {  	_ =	strace s7  }
0x9f: {  	_ =	strace $0x8FFFFFFF  }
0xa0: {  	s20 =	sld [smem:$0x3FDB];
	_ =	sdelay $0x1  }
0xa1: {  	s8 =	simm.s32 $_scs_section_size  }
0xa2: {  	s9 =	simm.s32 $_size__tile_overlayer_lowered;
	s10 =	simm.s32 $_tile_overlayer_lowered  }
0xa3: {  	s23 =	simm.s32 $0x1BFF;
	s22 =	sshll.u32 s10, $0x1;
	s7 =	sadd.s32 s8, s20  }
0xa4: {  	s11 =	simm.s32 $0x0;
	s21 =	sshll.u32 s9, $0x1;
	s9 =	sadd.s32 s22, s7  }
0xa5: {  	[timem:s11], [sflag:s23] =	dma.local [hbm:s9], s21  }
0xa6: {  	_ =	swait.ge [sflag:s23], s21  }
0xa7: {  	s8 =	ssub.s32 $0x0, s21;
	[sflag:s23] =	ssyncset.done $0x0  }
0xa8: {  	[sflag:s23] =	ssyncadd.s32 s8;
	_ =	sdelay $0x1  }
0xa9: {  	s24 =	simm.s32 $0x1B8B  }
0xaa: {  	_ =	swait.ge [sflag:s24], $0x1  }
0xab: {  	[sflag:s24] =	ssyncset.done $0x0  }
0xac: {  	s25 =	simm.s32 $0x1B8E;
	[sflag:s24] =	ssyncadd.s32 $0xFFFFFFFF  }
0xad: {  	s26 =	simm.s32 $execute0_lowered;
	[smem:$0x3FD2] =	sst s25  }
0xae: {  	s8 =	sshll.u32 s26, $0x1;
	_ =	strace $0x80000046;
	[dreg:$0x1] =	wrdreg $0xFFFFFFFF  }
0xaf: {  	s28 =	simm.s32 $_size_execute0_lowered;
	s7 =	sadd.s32 s7, s8;
	[dreg:$0x0] =	wrdreg $0x0  }
0xb0: {  	s8 =	sshll.u32 s28, $0x1;
	[dreg:$0x2] =	wrdreg s7  }
0xb1: {  	[dreg:$0x3] =	wrdreg s8  }
0xb2: {  	[dreg:$0x4] =	wrdreg $0xC0  }
0xb3: {  	_ =	task [dreg:s11], $0x5FFFF  }
0xb4: {  	[dreg:$0x1] =	wrdreg $0xFFFFFFFF  }
0xb5: {  	[dreg:$0x0] =	wrdreg $0x60  }
0xb6: {  	[dreg:$0x2] =	wrdreg s16  }
0xb7: {  	[dreg:$0x3] =	wrdreg s4  }
0xb8: {  	[dreg:$0x4] =	wrdreg s5  }
0xb9: {  	[dreg:$0x5] =	wrdreg s17  }
0xba: {  	[dreg:$0x6] =	wrdreg s18  }
0xbb: {  	[dreg:$0x7] =	wrdreg $0x6C000  }
0xbc: {  	[dreg:$0x8] =	wrdreg $0x1A8000  }
0xbd: {  	[dreg:$0x9] =	wrdreg $0x9  }
0xbe: {  	_ =	task.clear_ibuf [dreg:s11], $0xAFFFF;
	_ =	strace $0x90000046  }
0xbf: {  	s29 =	simm.s32 $0x9;
	_ =	strace $0x80000048  }
0xc0: {  	_ =	swait.ge [sflag:s29], $0x1  }
0xc1: {  	[sflag:s29] =	ssyncadd.s32 $0xFFFFFFFF  }
0xc2: {  	_ =	strace $0x90000048  }
0xc3: {  	_ =	sfence  }
0xc4: {  	s30 =	sld [smem:$0x0];
	_ =	sdelay $0x2  }
0xc5: {  	s31 =	sshll.u32 s1, $0xD;
	s1 =	sshrl.u32 s1, $0x2  }
0xc6: {  	s3 =	sand.u32 $0x4000, s31;
	s1 =	sadd.s32 s1, s30  }
0xc7: {  	s0 =	sor.u32 s3, s0;
	s1 =	sshll.u32 s1, $0x11  }
0xc8: {  	s0 =	sor.u32 s1, s0  }
0xc9: {  	s0 =	sadd.s32 $0x8F2B, s0  }
0xca: {  	[sflag:s0] =	ssyncadd.remote.s32 $0x1  }
0xcb: {  	_ =	sfence.sel $0xFFFF  }
0xcc: {  	[dreg:$0x0] =	wrdreg $0xFFFFFFFF;
	(pc) =	sbr.abs _section_cstart, $3  }
0xcd: {  	[dreg:$0x1] =	wrdreg $0xFFFFFFFF  }
0xce: {  	_ =	task.clear_ibuf [dreg:s11], $0x2FFFF;
	_ =	strace $0x9FFFFFFF  }
0xcf: {  	(tm) =	ssettm $0x7FFFFFFF  }
tec
execute0_lowered:
.L_overlay_start_1:
0x0: {  	(tag) =	ssettag $0x1  }
0x1: {  	s0 =	rddreg [dreg:$0x0]  }
0x2: {  	s19 =	rddreg [dreg:$0x1]  }
0x3: {  	s17 =	rddreg [dreg:$0x2]  }
0x4: {  	s15 =	rddreg [dreg:$0x3]  }
0x5: {  	s16 =	rddreg [dreg:$0x4]  }
0x6: {  	s3 =	rddreg [dreg:$0x5]  }
0x7: {  	s2 =	srdreg.scid;
	s1 =	stileid.u32  }
0x8: {  	s4 =	rddreg [dreg:$0x6];
	s6 =	smul.u32 $0x4F000, s1  }
0x9: {  	s5 =	simm.s32 $0x0;
	s25 =	simm.s32 $0x1;
	s21 =	smul.u32 $0x278, s1  }
0xa: {  	s26 =	simm.s32 $0x4100;
	s18 =	sand.u32 $0x1, s2;
	s30 =	smul.u32 $0xA00, s1  }
0xb: {  	s28 =	simm.s32 $0x0;
	[smem:$0x7FF] =	sst s5;
	s22 =	smul.u32 $0x2780, s18  }
0xc: {  	s7 =	ssub.s32 $0x2, s18;
	_ =	strace $0x80000047;
	s24 =	smul.u32 $0x500, s18  }
0xd: {  	s8 =	sshrl.u32 s7, $0x1;
	s6 =	sshrl.u32 s6, $0x2;
	s14 =	sadd.s32 s21, s4  }
0xe: {  	s31 =	sadd.s32 s30, s17;
	s19 =	sadd.s32 s30, s19;
	s20 =	ssub.s32 s7, s8  }
0xf: {  	s6 =	sadd.s32 s6, s3;
	s21 =	sadd.s32 s21, s22;
	s18 =	sadd.s32 s24, s31  }
0x10: {  	s19 =	sadd.s32 s24, s19;
	s22 =	simm.s32 $0x6980;
	s24 =	simm.s32 $0x100  }
0x11: {  	s7 =	sadd.s32 $0x2780, s6;
	s8 =	sadd.s32 $0x4F00, s6;
	s9 =	sadd.s32 $0x7680, s6  }
0x12: {  	s10 =	sadd.s32 $0x9E00, s6;
	s11 =	sadd.s32 $0xC580, s6;
	s12 =	sadd.s32 $0xED00, s6  }
0x13: {  	s13 =	sadd.s32 $0x11480, s6;
	s23 =	sshll.u32 s21, $0x4;
	s21 =	sshrl.u32 s21, $0x3  }
0x14: {  	s17 =	smax.u32 s20, $0x1;
	s20 =	simm.s32 $0x4180;
	s15 =	sadd.s32 s15, s23  }
0x15: {  	v0 =	vimm.f32 $1.000000000e+00;
	v1 =	vimm.f32 $0.0e+00;
	s16 =	sadd.s32 s16, s21;
	s21 =	simm.s32 $0x2;
	s23 =	simm.s32 $0x80  }
.LBB2_1:
0x16: {  	[tilespmem:$0x4100] =	vst v0  }
0x17: {  	[tilespmem:$0x4110] =	vst v0  }
0x18: {  	[tilespmem:$0x4120] =	vst v0  }
0x19: {  	[tilespmem:$0x4130] =	vst v0  }
0x1a: {  	[tilespmem:$0x4140] =	vst v0  }
0x1b: {  	[tilespmem:$0x4150] =	vst v0  }
0x1c: {  	[tilespmem:$0x4160] =	vst v0  }
0x1d: {  	[tilespmem:$0x4170] =	vst v0  }
0x1e: {  	[tilespmem:$0x6980] =	vst v1  }
0x1f: {  	[tilespmem:$0x6990] =	vst v1  }
0x20: {  	[tilespmem:$0x69A0] =	vst v1  }
0x21: {  	[tilespmem:$0x69B0] =	vst v1  }
0x22: {  	[tilespmem:$0x69C0] =	vst v1  }
0x23: {  	[tilespmem:$0x69D0] =	vst v1  }
0x24: {  	[tilespmem:$0x69E0] =	vst v1  }
0x25: {  	[tilespmem:$0x69F0] =	vst v1  }
0x26: {  	[tilespmem:$0x6A00] =	vst v1  }
0x27: {  	[tilespmem:$0x6A10] =	vst v1  }
0x28: {  	[tilespmem:$0x6A20] =	vst v1  }
0x29: {  	[tilespmem:$0x6A30] =	vst v1  }
0x2a: {  	[tilespmem:$0x6A40] =	vst v1  }
0x2b: {  	[tilespmem:$0x6A50] =	vst v1  }
0x2c: {  	[tilespmem:$0x6A60] =	vst v1  }
0x2d: {  	[tilespmem:$0x6A70] =	vst v1  }
0x2e: {  	[tilespmem:$0x6A80] =	vst v1  }
0x2f: {  	[tilespmem:$0x6A90] =	vst v1  }
0x30: {  	[tilespmem:$0x6AA0] =	vst v1  }
0x31: {  	[tilespmem:$0x6AB0] =	vst v1  }
0x32: {  	[tilespmem:$0x6AC0] =	vst v1  }
0x33: {  	[tilespmem:$0x6AD0] =	vst v1  }
0x34: {  	[tilespmem:$0x6AE0] =	vst v1  }
0x35: {  	[tilespmem:$0x6AF0] =	vst v1  }
0x36: {  	[tilespmem:$0x6B00] =	vst v1  }
0x37: {  	[tilespmem:$0x6B10] =	vst v1  }
0x38: {  	[tilespmem:$0x6B20] =	vst v1  }
0x39: {  	[tilespmem:$0x6B30] =	vst v1  }
0x3a: {  	[tilespmem:$0x6B40] =	vst v1  }
0x3b: {  	[tilespmem:$0x6B50] =	vst v1  }
0x3c: {  	[tilespmem:$0x6B60] =	vst v1  }
0x3d: {  	[tilespmem:$0x6B70] =	vst v1  }
0x3e: {  	[tilespmem:$0x6B80] =	vst v1  }
0x3f: {  	[tilespmem:$0x6B90] =	vst v1  }
0x40: {  	[tilespmem:$0x6BA0] =	vst v1  }
0x41: {  	[tilespmem:$0x6BB0] =	vst v1  }
0x42: {  	[tilespmem:$0x6BC0] =	vst v1  }
0x43: {  	[tilespmem:$0x6BD0] =	vst v1  }
0x44: {  	[tilespmem:$0x6BE0] =	vst v1  }
0x45: {  	[tilespmem:$0x6BF0] =	vst v1;
	s29 =	simm.s32 $0x0;
	s30 =	simm.s32 $0x200  }
.LBB2_2:
0x46: {  	p0 =	sne.s32 s30, $0x9C00;
	[tilespmem:s29+$0x41F0] =	vst v1  }
0x47: {  	[tilespmem:s29+$0x4180] =	vst v1  }
0x48: {  	[tilespmem:s29+$0x4190] =	vst v1  }
.Ltmp0:
0x49: {  	[tilespmem:s29+$0x41A0] =	vst v1;
	(pc) =	sbr.rel @p0 .LBB2_2-.Ltmp0, $4  }
0x4a: {  	[tilespmem:s29+$0x41B0] =	vst v1  }
0x4b: {  	[tilespmem:s29+$0x41C0] =	vst v1  }
0x4c: {  	[tilespmem:s29+$0x41D0] =	vst v1  }
0x4d: {  	[tilespmem:s29+$0x41E0] =	vst v1;
	s29 =	sshra.s32 s30, $0x2;
	s30 =	sadd.s32 $0x200, s30  }
0x4e: {  	[tilespmem:s29+$0x41F0] =	vst v1  }
0x4f: {  	[tilespmem:s29+$0x4180] =	vst v1  }
0x50: {  	[tilespmem:s29+$0x4190] =	vst v1  }
0x51: {  	[tilespmem:s29+$0x41A0] =	vst v1  }
0x52: {  	[tilespmem:s29+$0x41B0] =	vst v1  }
0x53: {  	[tilespmem:s29+$0x41C0] =	vst v1  }
0x54: {  	[tilespmem:s29+$0x41D0] =	vst v1  }
0x55: {  	[tilespmem:s29+$0x41E0] =	vst v1  }
0x56: {  	[spmem:s6] =	stream.linear.scatter [tilespmem:s20], [sflag:$0x2], $0x2780, $0x38;
	[tilespmem:$0x1AA78] =	vst v63  }
0x57: {  	_ =	swait.ge [sflag:s21], $0x2780  }
0x58: {  	[sflag:s21] =	ssyncset.done $0x0  }
0x59: {  	[sflag:s21] =	ssyncadd.s32 $0xFFFFD880  }
0x5a: {  	[spmem:s7] =	stream.linear.scatter [tilespmem:s20], [sflag:$0x2], $0x2780, $0x38;
	[tilespmem:$0x1AA78] =	vst v63  }
0x5b: {  	_ =	swait.ge [sflag:s21], $0x2780  }
0x5c: {  	[sflag:s21] =	ssyncset.done $0x0  }
0x5d: {  	[sflag:s21] =	ssyncadd.s32 $0xFFFFD880  }
0x5e: {  	[spmem:s8] =	stream.linear.scatter [tilespmem:s20], [sflag:$0x2], $0x2780, $0x38;
	[tilespmem:$0x1AA78] =	vst v63  }
0x5f: {  	_ =	swait.ge [sflag:s21], $0x2780  }
0x60: {  	[sflag:s21] =	ssyncset.done $0x0  }
0x61: {  	[sflag:s21] =	ssyncadd.s32 $0xFFFFD880  }
0x62: {  	[spmem:s9] =	stream.linear.scatter [tilespmem:s20], [sflag:$0x2], $0x2780, $0x38;
	[tilespmem:$0x1AA78] =	vst v63  }
0x63: {  	_ =	swait.ge [sflag:s21], $0x2780  }
0x64: {  	[sflag:s21] =	ssyncset.done $0x0  }
0x65: {  	[sflag:s21] =	ssyncadd.s32 $0xFFFFD880  }
0x66: {  	[spmem:s10] =	stream.linear.scatter [tilespmem:s20], [sflag:$0x2], $0x2780, $0x38;
	[tilespmem:$0x1AA78] =	vst v63  }
0x67: {  	_ =	swait.ge [sflag:s21], $0x2780  }
0x68: {  	[sflag:s21] =	ssyncset.done $0x0  }
0x69: {  	[sflag:s21] =	ssyncadd.s32 $0xFFFFD880  }
0x6a: {  	[spmem:s11] =	stream.linear.scatter [tilespmem:s20], [sflag:$0x2], $0x2780, $0x38;
	[tilespmem:$0x1AA78] =	vst v63  }
0x6b: {  	_ =	swait.ge [sflag:s21], $0x2780  }
0x6c: {  	[sflag:s21] =	ssyncset.done $0x0  }
0x6d: {  	[sflag:s21] =	ssyncadd.s32 $0xFFFFD880  }
0x6e: {  	[spmem:s12] =	stream.linear.scatter [tilespmem:s20], [sflag:$0x2], $0x2780, $0x38;
	[tilespmem:$0x1AA78] =	vst v63  }
0x6f: {  	_ =	swait.ge [sflag:s21], $0x2780  }
0x70: {  	[sflag:s21] =	ssyncset.done $0x0  }
0x71: {  	[sflag:s21] =	ssyncadd.s32 $0xFFFFD880  }
0x72: {  	[spmem:s13] =	stream.linear.scatter [tilespmem:s20], [sflag:$0x2], $0x2780, $0x38;
	[tilespmem:$0x1AA78] =	vst v63  }
0x73: {  	_ =	swait.ge [sflag:s21], $0x2780  }
0x74: {  	[sflag:s21] =	ssyncset.done $0x0  }
0x75: {  	[sflag:s21] =	ssyncadd.s32 $0xFFFFD880  }
0x76: {  	[spmem:s14] =	stream.linear.scatter [tilespmem:s22], [sflag:$0x2], $0x278, $0x38;
	[tilespmem:$0x1AA78] =	vst v63  }
0x77: {  	_ =	swait.ge [sflag:s21], $0x278  }
0x78: {  	[sflag:s21] =	ssyncset.done $0x0  }
0x79: {  	[sflag:s21] =	ssyncadd.s32 $0xFFFFFD88  }
0x7a: {  	s29 =	sadd.s32 $0x0, s19;
	[bflag:$0x0] =	sbarrier.arrive $0xFFFF  }
0x7b: {  	[tilespmem:s5], [sflag:$0x2] =	stream.linear.gather [hbm4b:s29+s5], $0x80, $0x38;
	[tilespmem:$0x1AA78] =	vst v63  }
0x7c: {  	_ =	swait.ge [sflag:s21], $0x80  }
0x7d: {  	[sflag:s21] =	ssyncset.done $0x0  }
0x7e: {  	s29 =	sadd.s32 $0x0, s18;
	[sflag:s21] =	ssyncadd.s32 $0xFFFFFF80  }
0x7f: {  	[tilespmem:s23], [sflag:$0x2] =	stream.linear.gather [hbm4b:s29+s5], $0x80, $0x38;
	[tilespmem:$0x1AA78] =	vst v63  }
0x80: {  	_ =	swait.ge [sflag:s21], $0x80  }
0x81: {  	[sflag:s21] =	ssyncset.done $0x0  }
0x82: {  	[sflag:s21] =	ssyncadd.s32 $0xFFFFFF80  }
0x83: {  	[tilespmem:s24], [sflag:$0x1] =	stream.indirect.gather [hbm4b:s0+s23], $0x80, s5, s23, $0xb8;
	[tilespmem:$0x1AA78] =	vst v63  }
0x84: {  	_ =	swait.ge [sflag:s25], $0x4000  }
0x85: {  	[sflag:s25] =	ssyncset.done $0x0  }
0x86: {  	[sflag:s25] =	ssyncadd.s32 $0xFFFFC000  }
0x87: {  	[spmem:s3] =	stream.indirect.scatter.add.f32 [tilespmem:s24], [sflag:$0x2], $0x80, s23, s23, $0xb8;
	[tilespmem:$0x1AA78] =	vst v63  }
0x88: {  	_ =	swait.ge [sflag:s21], $0x4000  }
0x89: {  	[sflag:s21] =	ssyncset.done $0x0  }
0x8a: {  	[sflag:s21] =	ssyncadd.s32 $0xFFFFC000  }
0x8b: {  	[spmem:s4] =	stream.indirect.scatter.add.f32 [tilespmem:s26], [sflag:$0x2], $0x1, s23, s23, $0xb8;
	[tilespmem:$0x1AA78] =	vst v63  }
0x8c: {  	_ =	swait.ge [sflag:s21], $0x80  }
0x8d: {  	s30 =	simm.s32 $0x20;
	s29 =	simm.s32 $0x10;
	[sflag:s21] =	ssyncset.done $0x0  }
.LBB2_4:
0x8e: {  	s31 =	sadd.s32 s29, s19  }
0x8f: {  	[sflag:s21] =	ssyncadd.s32 $0xFFFFFF80;
	s2 =	smov.u32 s30;
	s1 =	sadd.s32 $0x10, s30  }
0x90: {  	[tilespmem:s5], [sflag:$0x2] =	stream.linear.gather [hbm4b:s31+s5], $0x80, $0x38;
	[tilespmem:$0x1AA78] =	vst v63  }
0x91: {  	p0 =	sne.s32 s30, $0x4F0;
	_ =	swait.ge [sflag:s21], $0x80  }
0x92: {  	[sflag:s21] =	ssyncset.done $0x0  }
0x93: {  	s30 =	sadd.s32 s29, s18;
	s29 =	smov.u32 s2;
	[sflag:s21] =	ssyncadd.s32 $0xFFFFFF80  }
0x94: {  	[tilespmem:s23], [sflag:$0x2] =	stream.linear.gather [hbm4b:s30+s5], $0x80, $0x38;
	[tilespmem:$0x1AA78] =	vst v63  }
0x95: {  	_ =	swait.ge [sflag:s21], $0x80  }
0x96: {  	[sflag:s21] =	ssyncset.done $0x0  }
0x97: {  	[sflag:s21] =	ssyncadd.s32 $0xFFFFFF80  }
0x98: {  	[tilespmem:s24], [sflag:$0x1] =	stream.indirect.gather [hbm4b:s0+s23], $0x80, s5, s23, $0xb8;
	[tilespmem:$0x1AA78] =	vst v63  }
0x99: {  	_ =	swait.ge [sflag:s25], $0x4000  }
0x9a: {  	[sflag:s25] =	ssyncset.done $0x0  }
0x9b: {  	[sflag:s25] =	ssyncadd.s32 $0xFFFFC000  }
0x9c: {  	[spmem:s3] =	stream.indirect.scatter.add.f32 [tilespmem:s24], [sflag:$0x2], $0x80, s23, s23, $0xb8;
	[tilespmem:$0x1AA78] =	vst v63  }
0x9d: {  	_ =	swait.ge [sflag:s21], $0x4000  }
.Ltmp1:
0x9e: {  	[sflag:s21] =	ssyncset.done $0x0;
	(pc) =	sbr.rel @p0 .LBB2_4-.Ltmp1, $4  }
0x9f: {  	[sflag:s21] =	ssyncadd.s32 $0xFFFFC000  }
0xa0: {  	[spmem:s4] =	stream.indirect.scatter.add.f32 [tilespmem:s26], [sflag:$0x2], $0x1, s23, s23, $0xb8;
	[tilespmem:$0x1AA78] =	vst v63  }
0xa1: {  	_ =	swait.ge [sflag:s21], $0x80  }
0xa2: {  	s30 =	smov.u32 s1;
	[sflag:s21] =	ssyncset.done $0x0  }
0xa3: {  	s1 =	sadd.s32 s29, s19;
	[sflag:s21] =	ssyncadd.s32 $0xFFFFFF80  }
0xa4: {  	[tilespmem:s5], [sflag:$0x2] =	stream.linear.gather [hbm4b:s1+s5], $0x80, $0x38;
	[tilespmem:$0x1AA78] =	vst v63  }
0xa5: {  	_ =	swait.ge [sflag:s21], $0x80  }
0xa6: {  	[sflag:s21] =	ssyncset.done $0x0  }
0xa7: {  	s30 =	sadd.s32 s29, s18;
	[sflag:s21] =	ssyncadd.s32 $0xFFFFFF80  }
0xa8: {  	[tilespmem:s23], [sflag:$0x2] =	stream.linear.gather [hbm4b:s30+s5], $0x80, $0x38;
	[tilespmem:$0x1AA78] =	vst v63  }
0xa9: {  	_ =	swait.ge [sflag:s21], $0x80  }
0xaa: {  	[sflag:s21] =	ssyncset.done $0x0  }
0xab: {  	[sflag:s21] =	ssyncadd.s32 $0xFFFFFF80  }
0xac: {  	[tilespmem:s24], [sflag:$0x1] =	stream.indirect.gather [hbm4b:s0+s23], $0x80, s5, s23, $0xb8;
	[tilespmem:$0x1AA78] =	vst v63  }
0xad: {  	_ =	swait.ge [sflag:s25], $0x4000  }
0xae: {  	[sflag:s25] =	ssyncset.done $0x0  }
0xaf: {  	[sflag:s25] =	ssyncadd.s32 $0xFFFFC000  }
0xb0: {  	[spmem:s3] =	stream.indirect.scatter.add.f32 [tilespmem:s24], [sflag:$0x2], $0x80, s23, s23, $0xb8;
	[tilespmem:$0x1AA78] =	vst v63  }
0xb1: {  	_ =	swait.ge [sflag:s21], $0x4000  }
0xb2: {  	[sflag:s21] =	ssyncset.done $0x0  }
0xb3: {  	[sflag:s21] =	ssyncadd.s32 $0xFFFFC000  }
0xb4: {  	[spmem:s4] =	stream.indirect.scatter.add.f32 [tilespmem:s26], [sflag:$0x2], $0x1, s23, s23, $0xb8;
	[tilespmem:$0x1AA78] =	vst v63  }
0xb5: {  	_ =	swait.ge [sflag:s21], $0x80  }
0xb6: {  	s31 =	stileid.u32;
	[sflag:s21] =	ssyncset.done $0x0  }
0xb7: {  	s1 =	sshll.u32 s31, $0x6;
	[sflag:s21] =	ssyncadd.s32 $0xFFFFFF80  }
0xb8: {  	s2 =	sshrl.u32 s6, $0x3;
	s1 =	sor.u32 $0x1C02, s1;
	[bflag:$0x0] =	sbarrier.arrive $0xFFFF  }
0xb9: {  	[hbm:s15], [sflag:s1] =	dma.local [spmem:s2], $0x2780  }
0xba: {  	_ =	swait.ge [sflag:s21], $0x2780  }
0xbb: {  	[sflag:s21] =	ssyncset.done $0x0  }
0xbc: {  	[sflag:s21] =	ssyncadd.s32 $0xFFFFD880  }
0xbd: {  	[tilespmem:s22], [sflag:$0x2] =	stream.linear.gather [spmem:s14], $0x278, $0x38;
	[tilespmem:$0x1AA78] =	vst v63  }
0xbe: {  	s28 =	sadd.s32 $0x1, s28;
	_ =	swait.ge [sflag:s21], $0x278  }
0xbf: {  	p0 =	sne.s32 s28, s17;
	[sflag:s21] =	ssyncset.done $0x0  }
.Ltmp2:
0xc0: {  	[sflag:s21] =	ssyncadd.s32 $0xFFFFFD88;
	(pc) =	sbr.rel @p0 .LBB2_1-.Ltmp2, $4  }
0xc1: {  	[hbm4b:s16+s5] =	stream.linear.scatter [tilespmem:s22], [sflag:$0x2], $0x278, $0x38;
	[tilespmem:$0x1AA78] =	vst v63  }
0xc2: {  	_ =	swait.ge [sflag:s21], $0x278  }
0xc3: {  	[sflag:s21] =	ssyncset.done $0x0  }
0xc4: {  	[sflag:s21] =	ssyncadd.s32 $0xFFFFFD88  }
0xc5: {  	_ =	sfence.sel $0x180000  }
0xc6: {  	[bflag:$0x0] =	sbarrier.arrive $0xFFFF  }
0xc7: {  	_ =	strace $0x90000047  }
0xc8: {  	s0 =	stileid.u32;
	[bflag:$0x2] =	sbarrier.arrive $0xFFFF  }
0xc9: {  	p0 =	sne.s32 s0, $0x0;
	s0 =	rddreg [dreg:$0x7]  }
0xca: {  	s0 =	sadd.s32 @!p0 $0x100000, s0  }
0xcb: {  	[sflag:s0] =	ssyncadd.tile.s32 @!p0 $0x1;
	_ =	shalt  }
.Lfunc_end2:
_tile_overlayer_lowered:
.L_overlay_start_2:
0xcc: {  	(tag) =	ssettag $0x2  }
0xcd: {  	s0 =	rddreg [dreg:$0x0];
	s2 =	stileid.u32  }
0xce: {  	s1 =	rddreg [dreg:$0x1];
	p0 =	sne.s32 s2, $0x0  }
0xcf: {  	s3 =	rddreg [dreg:$0x2];
	[bflag:$0x3] =	sbarrier.arrive $0xFFFF;
	s2 =	simm.s32 @!p0 $0x1C02  }
0xd0: {  	[timem:s3], [sflag:s2] =	dma.local @!p0 [hbm:s0], s1  }
0xd1: {  	s0 =	simm.s32 @!p0 $0x2  }
0xd2: {  	_ =	swait.ge @!p0 [sflag:s0], s1  }
0xd3: {  	s1 =	ssub.s32 @!p0 $0x0, s1;
	[sflag:s0] =	ssyncset.done @!p0 $0x0  }
0xd4: {  	[sflag:s0] =	ssyncadd.s32 @!p0 s1  }
0xd5: {  	[bflag:$0x3] =	sbarrier.arrive $0xFFFF  }
0xd6: {  	_ =	shalt  }

</sc_bundles>
